<compile_context>
chip_gen: v7x
topology: tpu7x:2x2x1
jax: 0.10.2.dev20260603
libtpu: 0.0.44.dev20260713+nightly
codegen_flags: <defaults>
</compile_context>

<pallas_src>
import functools

import jax
import jax.numpy as jnp
from jax import lax
from jax.experimental import pallas as pl
from jax.experimental.pallas import tpu as pltpu
from jax.experimental.pallas import tpu_sc as plsc

_N = 10000
_E = 320000
_D = 128

_NC = 2
_NS = 16
_L = 16
_NW = _NC * _NS

_NP = 10240
_ROWS_T = _NP // _NS

_C = 64
_CHUNKS = _E // _C
_CW = _CHUNKS // _NW
_CX = _CHUNKS - _CW * _NW
_BB = 52

_mesh = plsc.VectorSubcoreMesh(core_axis_name="c", subcore_axis_name="s")


@functools.partial(
    pl.kernel,
    out_type=[
        jax.ShapeDtypeStruct((_NW, 1, _NP), jnp.float32),
        jax.ShapeDtypeStruct((_NW, 1, _NP), jnp.float32),
    ],
    mesh=_mesh,
    scratch_types=[
        pltpu.VMEM((_CW + _CX, 1, _C), jnp.int32),
        pltpu.VMEM((_CW + _CX, 1, _C), jnp.int32),
        pltpu.VMEM((_NP,), jnp.float32),
        pltpu.VMEM((_NP,), jnp.float32),
    ],
    compiler_params=pltpu.CompilerParams(needs_layout_passes=False),
)
def _sc_degrees(e4_hbm, hs_out, hd_out, sidx, didx, hist_s, hist_d):
    w = lax.axis_index("s") * _NC + lax.axis_index("c")
    k0 = w * _CW
    pltpu.sync_copy(e4_hbm.at[0, pl.ds(k0, _CW)], sidx.at[pl.ds(0, _CW)])
    pltpu.sync_copy(e4_hbm.at[1, pl.ds(k0, _CW)], didx.at[pl.ds(0, _CW)])

    has_extra = w >= _NW - _CX
    kx = _CW * _NW + (w - (_NW - _CX))

    @pl.when(has_extra)
    def _():
        pltpu.sync_copy(e4_hbm.at[0, pl.ds(kx, 1)], sidx.at[pl.ds(_CW, 1)])
        pltpu.sync_copy(e4_hbm.at[1, pl.ds(kx, 1)], didx.at[pl.ds(_CW, 1)])

    zeros = jnp.zeros((_L,), jnp.float32)

    def _zero(i, carry):
        hist_s[pl.ds(i * _L, _L)] = zeros
        hist_d[pl.ds(i * _L, _L)] = zeros
        return carry

    lax.fori_loop(0, _NP // _L, _zero, 0)

    ones = jnp.full((_L,), 1.0, jnp.float32)
    vecs_per_chunk = _C // _L

    def _acc(i, carry):
        chunk = i // vecs_per_chunk
        off = (i % vecs_per_chunk) * _L
        s = sidx[chunk, 0, pl.ds(off, _L)]
        d = didx[chunk, 0, pl.ds(off, _L)]
        plsc.addupdate_scatter(hist_s, [s], ones)
        plsc.addupdate_scatter(hist_d, [d], ones)
        return carry

    n_vecs = jnp.where(has_extra, (_CW + 1) * vecs_per_chunk,
                       _CW * vecs_per_chunk)
    lax.fori_loop(0, n_vecs, _acc, 0)

    pltpu.sync_copy(hist_s, hs_out.at[w, 0])
    pltpu.sync_copy(hist_d, hd_out.at[w, 0])


_BLK = 1280
def _deg_col(h_ref):
    h = h_ref[:, 0, :]
    return lax.dot_general(
        h, jnp.ones((_NW, 1), jnp.float32), (((0,), (0,)), ((), ())),
        preferred_element_type=jnp.float32,
    )


def _tc_scale_mm_body(hs_ref, x_ref, W_ref, W2_ref, y_ref, wc_ref):
    @pl.when(pl.program_id(0) == 0)
    def _():
        wc_ref[...] = jnp.dot(
            W_ref[...], W2_ref[...], preferred_element_type=jnp.float32
        )

    norm = lax.rsqrt(jnp.maximum(_deg_col(hs_ref), 1.0))
    y_ref[...] = (
        jnp.dot(x_ref[...], wc_ref[...], preferred_element_type=jnp.float32)
        * norm
    )


def _tc_scale_mm(hist_s, x, W, W2):
    return pl.pallas_call(
        _tc_scale_mm_body,
        grid=(_NP // _BLK,),
        in_specs=[
            pl.BlockSpec((_NW, 1, _BLK), lambda i: (0, 0, i)),
            pl.BlockSpec((_BLK, _D), lambda i: (i, 0)),
            pl.BlockSpec((_D, _D), lambda i: (0, 0)),
            pl.BlockSpec((_D, _D), lambda i: (0, 0)),
        ],
        out_specs=pl.BlockSpec((_BLK, _D), lambda i: (i, 0)),
        out_shape=jax.ShapeDtypeStruct((_NP, _D), jnp.float32),
        scratch_shapes=[pltpu.VMEM((_D, _D), jnp.float32)],
    )(hist_s, x, W, W2)


@functools.partial(
    pl.kernel,
    out_type=jax.ShapeDtypeStruct((_NC, _NP, _D), jnp.float32),
    mesh=_mesh,
    scratch_types=[
        pltpu.VMEM((_BB, 1, _C), jnp.int32),
        pltpu.VMEM((_BB, 1, _C), jnp.int32),
        pltpu.VMEM((_C, _D), jnp.float32),
        pltpu.VMEM((_C, _D), jnp.float32),
        pltpu.VMEM((_C, _D), jnp.float32),
        pltpu.VMEM((_C, _D), jnp.float32),
        pltpu.VMEM_SHARED((_NP, _D), jnp.float32),
        pltpu.SemaphoreType.DMA,
        pltpu.SemaphoreType.DMA,
        pltpu.SemaphoreType.DMA,
        pltpu.SemaphoreType.DMA,
        pltpu.SemaphoreType.DMA,
        pltpu.SemaphoreType.DMA,
        pltpu.SemaphoreType.DMA,
        pltpu.SemaphoreType.DMA,
    ],
    compiler_params=pltpu.CompilerParams(needs_layout_passes=False),
)
def _sc_aggregate(y_hbm, e4_hbm, agg_hbm,
                  sidx, didx, rows0, rows1, rows2, rows3, acc,
                  gsem0, gsem1, gsem2, gsem3, ssem0, ssem1, ssem2, ssem3):
    c = lax.axis_index("c")
    s = lax.axis_index("s")
    r0 = s * _ROWS_T

    zvec = jnp.zeros((_L,), jnp.float32)

    def _zrow(i, carry):
        for jj in range(_D // _L):
            rows0[i, pl.ds(jj * _L, _L)] = zvec
        return carry

    lax.fori_loop(0, _C, _zrow, 0)
    for tt in range(_ROWS_T // _C):
        pltpu.sync_copy(rows0, acc.at[pl.ds(r0 + tt * _C, _C)])

    plsc.subcore_barrier()

    w = s * _NC + c
    k0 = w * _CW
    rows = (rows0, rows1, rows2, rows3)
    gsems = (gsem0, gsem1, gsem2, gsem3)
    ssems = (ssem0, ssem1, ssem2, ssem3)

    def _run_batch(nb, carry):
        pltpu.async_copy(y_hbm.at[sidx.at[0, 0]], rows[0], gsems[0])
        pltpu.async_copy(y_hbm.at[sidx.at[1, 0]], rows[1], gsems[1])

        def _quad(q, carry2):
            jb = 4 * q
            for k in range(4):
                j = jb + k
                b2 = (k + 2) % 4

                @pl.when(j >= 2)
                def _():
                    pltpu.make_async_copy(
                        rows[b2], acc.at[didx.at[0, 0]], ssems[b2]
                    ).wait()

                @pl.when(j + 2 < nb)
                def _():
                    pltpu.async_copy(
                        y_hbm.at[sidx.at[j + 2, 0]], rows[b2], gsems[b2]
                    )

                pltpu.make_async_copy(
                    y_hbm.at[sidx.at[j, 0]], rows[k], gsems[k]
                ).wait()
                pltpu.async_copy(
                    rows[k], acc.at[didx.at[j, 0]], ssems[k], add=True
                )
            return carry2

        lax.fori_loop(0, nb // 4, _quad, carry)

        pltpu.make_async_copy(
            rows[(nb - 2) % 4], acc.at[didx.at[0, 0]], ssems[(nb - 2) % 4]
        ).wait()
        pltpu.make_async_copy(
            rows[(nb - 1) % 4], acc.at[didx.at[0, 0]], ssems[(nb - 1) % 4]
        ).wait()
        return carry

    def _edge_batch(m, carry):
        pltpu.sync_copy(e4_hbm.at[0, pl.ds(k0 + m * _BB, _BB)], sidx)
        pltpu.sync_copy(e4_hbm.at[1, pl.ds(k0 + m * _BB, _BB)], didx)
        return _run_batch(_BB, carry)

    lax.fori_loop(0, _CW // _BB, _edge_batch, 0)

    @pl.when(w >= _NW - _CX)
    def _():
        kx = _CW * _NW + (w - (_NW - _CX))
        pltpu.sync_copy(e4_hbm.at[0, pl.ds(kx, 1)], sidx.at[pl.ds(0, 1)])
        pltpu.sync_copy(e4_hbm.at[1, pl.ds(kx, 1)], didx.at[pl.ds(0, 1)])
        pltpu.async_copy(y_hbm.at[sidx.at[0, 0]], rows0, gsem0)
        pltpu.make_async_copy(y_hbm.at[sidx.at[0, 0]], rows0, gsem0).wait()
        pltpu.sync_copy(rows0, acc.at[didx.at[0, 0]], add=True)

    plsc.subcore_barrier()

    pltpu.sync_copy(
        acc.at[pl.ds(r0, _ROWS_T)], agg_hbm.at[c, pl.ds(r0, _ROWS_T)]
    )


_BLK4 = 1280


def _tc_out_body(agg_ref, hd_ref, b_ref, W2_ref, b2_ref, out_ref):
    norm = lax.rsqrt(jnp.maximum(_deg_col(hd_ref), 1.0))
    bc = (
        jnp.dot(b_ref[...], W2_ref[...], preferred_element_type=jnp.float32)
        + b2_ref[...]
    )
    a = agg_ref[0] + agg_ref[1]
    out_ref[...] = a * norm + bc


def _tc_out(agg, hist_d, b, W2, b2):
    grid = _N // _BLK4 + (1 if _N % _BLK4 else 0)
    return pl.pallas_call(
        _tc_out_body,
        grid=(grid,),
        in_specs=[
            pl.BlockSpec((_NC, _BLK4, _D), lambda i: (0, i, 0)),
            pl.BlockSpec((_NW, 1, _BLK4), lambda i: (0, 0, i)),
            pl.BlockSpec((1, _D), lambda i: (0, 0)),
            pl.BlockSpec((_D, _D), lambda i: (0, 0)),
            pl.BlockSpec((1, _D), lambda i: (0, 0)),
        ],
        out_specs=pl.BlockSpec((_BLK4, _D), lambda i: (i, 0)),
        out_shape=jax.ShapeDtypeStruct((_N, _D), jnp.float32),
    )(agg, hist_d, b[None, :], W2, b2[None, :])


def kernel(x, edge_index, W, b, W2, b2):
    e4 = edge_index.reshape(2, _CHUNKS, 1, _C)

    hist_s, hist_d = _sc_degrees(e4)
    y = _tc_scale_mm(hist_s, x, W, W2)

    agg = _sc_aggregate(y, e4)

    return _tc_out(agg, hist_d, b, W2, b2)

# --- scband reference (transcript-rebuilt; emitter-appended) ---
"""Pipeline reference for scband-gcn-48473000903492 (READ-ONLY COPY).

The authoritative reference and input builder live on the scoring server;
editing this copy changes nothing except your own understanding.
"""

import jax, jax.numpy as jnp
import numpy as np

N = 10000
E = 320000
D_IN = 128
D_OUT = 128

def setup_inputs(seed: int = 0):
    key = jax.random.key(seed)
    k1, k2, k3, k4 = jax.random.split(key, 4)
    x = jax.random.normal(k1, (N, D_IN), dtype=jnp.float32)
    edge_index = jax.random.randint(k2, (2, E), 0, N, dtype=jnp.int32)
    # DGL GraphConv(in_dim, in_dim) weight + bias
    W = jax.random.normal(k3, (D_IN, D_IN), dtype=jnp.float32) / np.sqrt(D_IN)
    b = jnp.zeros((D_IN,), dtype=jnp.float32)
    # fc: nn.Linear(in_dim, out_dim)
    W2 = jax.random.normal(k4, (D_IN, D_OUT), dtype=jnp.float32) / np.sqrt(D_IN)
    b2 = jnp.zeros((D_OUT,), dtype=jnp.float32)
    return {"x": x, "edge_index": edge_index, "W": W, "b": b, "W2": W2, "b2": b2}

def reference(x, edge_index, W, b, W2, b2):
    src = edge_index[0]
    dst = edge_index[1]
    # DGL GraphConv with norm='both': D_src^{-1/2} A D_dst^{-1/2} X W + b
    deg_out = jnp.zeros((N,), dtype=jnp.float32).at[src].add(1.0)
    deg_in = jnp.zeros((N,), dtype=jnp.float32).at[dst].add(1.0)
    norm_src = jnp.power(jnp.clip(deg_out, 1.0, None), -0.5)
    norm_dst = jnp.power(jnp.clip(deg_in, 1.0, None), -0.5)
    h = x * norm_src[:, None]
    msg = h[src]  # gather along edges
    agg = jax.ops.segment_sum(msg, dst, num_segments=N)  # scatter-add to dst
    h = agg * norm_dst[:, None]
    h = h @ W + b
    # fc: Flatten(start_dim=1) is a no-op on [N, d], then Linear
    out = h @ W2 + b2
    return out

if __name__ == "__main__":
    import jax
    _d = setup_inputs()
    print(jax.jit(kernel)(*tuple(_d.values())))

</pallas_src>

<mosaic_0001>
#map = affine_map<(d0, d1) -> (0, 0)>
#map1 = affine_map<(d0, d1) -> (0, 0, 0, 0)>
#map2 = affine_map<(d0, d1) -> (0, 0, 0)>
module attributes {stable_mosaic.version = 14 : i64} {
  func.func @_sc_aggregate(%arg0: i32, %arg1: i32, %arg2: memref<10240x128xf32, #tpu.memory_space<hbm>>, %arg3: memref<2x5000x1x64xi32, #tpu.memory_space<hbm>>, %arg4: memref<2x10240x128xf32, #tpu.memory_space<hbm>>, %arg5: memref<52x1x64xi32, #tpu.memory_space<vmem>>, %arg6: memref<52x1x64xi32, #tpu.memory_space<vmem>>, %arg7: memref<64x128xf32, #tpu.memory_space<vmem>>, %arg8: memref<64x128xf32, #tpu.memory_space<vmem>>, %arg9: memref<64x128xf32, #tpu.memory_space<vmem>>, %arg10: memref<64x128xf32, #tpu.memory_space<vmem>>, %arg11: memref<10240x128xf32, #tpu.memory_space<vmem_shared>>, %arg12: memref<!tpu.dma_semaphore, #tpu.memory_space<semaphore_mem>>, %arg13: memref<!tpu.dma_semaphore, #tpu.memory_space<semaphore_mem>>, %arg14: memref<!tpu.dma_semaphore, #tpu.memory_space<semaphore_mem>>, %arg15: memref<!tpu.dma_semaphore, #tpu.memory_space<semaphore_mem>>, %arg16: memref<!tpu.dma_semaphore, #tpu.memory_space<semaphore_mem>>, %arg17: memref<!tpu.dma_semaphore, #tpu.memory_space<semaphore_mem>>, %arg18: memref<!tpu.dma_semaphore, #tpu.memory_space<semaphore_mem>>, %arg19: memref<!tpu.dma_semaphore, #tpu.memory_space<semaphore_mem>>) attributes {dimension_semantics = [#tpu.dimension_semantics<core_parallel>, #tpu.dimension_semantics<subcore_parallel>], iteration_bounds = array<i64: 2, 16>, scalar_prefetch = 0 : i64, scratch_operands = 15 : i64, tpu.core_type = #tpu.core_type<sc_vector_subcore>, window_params = [{transform_indices = #map}, {transform_indices = #map1}, {transform_indices = #map2}]} {
    %mul3A = arith.constant 640 : i32
    %mul3A_0 = arith.muli %arg1, %mul3A : i32
    %broadcast_in_dim3A = arith.constant 0.000000e+00 : f32
    %broadcast_in_dim3A_1 = vector.broadcast %broadcast_in_dim3A : f32 to vector<16xf32>
    %scan3A = arith.constant 0 : i32
    %scan3A_2 = arith.constant 0 : i32
    %scan3A_3 = arith.constant 64 : i32
    %scan3A_4 = arith.addi %scan3A_2, %scan3A_3 : i32
    %scan3A_5 = arith.constant 1 : i32
    scf.for %scan3A_40 = %scan3A_2 to %scan3A_4 step %scan3A_5  : i32 {
      %swap3A = arith.index_cast %scan3A_40 : i32 to index
      %swap3A_41 = arith.constant 0 : index
      %swap3A_42 = tpu.vector_load %arg7[%swap3A, %swap3A_41] {strides = array<i32>} : memref<64x128xf32, #tpu.memory_space<vmem>>, vector<16xf32>,
      tpu.vector_store %arg7[%swap3A, %swap3A_41], %broadcast_in_dim3A_1 {strides = array<i32>} : memref<64x128xf32, #tpu.memory_space<vmem>>, vector<16xf32>,
      %swap3A_43 = arith.index_cast %scan3A_40 : i32 to index
      %swap3A_44 = arith.constant 16 : index
      %swap3A_45 = tpu.vector_load %arg7[%swap3A_43, %swap3A_44] {strides = array<i32>} : memref<64x128xf32, #tpu.memory_space<vmem>>, vector<16xf32>,
      tpu.vector_store %arg7[%swap3A_43, %swap3A_44], %broadcast_in_dim3A_1 {strides = array<i32>} : memref<64x128xf32, #tpu.memory_space<vmem>>, vector<16xf32>,
      %swap3A_46 = arith.index_cast %scan3A_40 : i32 to index
      %swap3A_47 = arith.constant 32 : index
      %swap3A_48 = tpu.vector_load %arg7[%swap3A_46, %swap3A_47] {strides = array<i32>} : memref<64x128xf32, #tpu.memory_space<vmem>>, vector<16xf32>,
      tpu.vector_store %arg7[%swap3A_46, %swap3A_47], %broadcast_in_dim3A_1 {strides = array<i32>} : memref<64x128xf32, #tpu.memory_space<vmem>>, vector<16xf32>,
      %swap3A_49 = arith.index_cast %scan3A_40 : i32 to index
      %swap3A_50 = arith.constant 48 : index
      %swap3A_51 = tpu.vector_load %arg7[%swap3A_49, %swap3A_50] {strides = array<i32>} : memref<64x128xf32, #tpu.memory_space<vmem>>, vector<16xf32>,
      tpu.vector_store %arg7[%swap3A_49, %swap3A_50], %broadcast_in_dim3A_1 {strides = array<i32>} : memref<64x128xf32, #tpu.memory_space<vmem>>, vector<16xf32>,
      %swap3A_52 = arith.index_cast %scan3A_40 : i32 to index
      %swap3A_53 = arith.constant 64 : index
      %swap3A_54 = tpu.vector_load %arg7[%swap3A_52, %swap3A_53] {strides = array<i32>} : memref<64x128xf32, #tpu.memory_space<vmem>>, vector<16xf32>,
      tpu.vector_store %arg7[%swap3A_52, %swap3A_53], %broadcast_in_dim3A_1 {strides = array<i32>} : memref<64x128xf32, #tpu.memory_space<vmem>>, vector<16xf32>,
      %swap3A_55 = arith.index_cast %scan3A_40 : i32 to index
      %swap3A_56 = arith.constant 80 : index
      %swap3A_57 = tpu.vector_load %arg7[%swap3A_55, %swap3A_56] {strides = array<i32>} : memref<64x128xf32, #tpu.memory_space<vmem>>, vector<16xf32>,
      tpu.vector_store %arg7[%swap3A_55, %swap3A_56], %broadcast_in_dim3A_1 {strides = array<i32>} : memref<64x128xf32, #tpu.memory_space<vmem>>, vector<16xf32>,
      %swap3A_58 = arith.index_cast %scan3A_40 : i32 to index
      %swap3A_59 = arith.constant 96 : index
      %swap3A_60 = tpu.vector_load %arg7[%swap3A_58, %swap3A_59] {strides = array<i32>} : memref<64x128xf32, #tpu.memory_space<vmem>>, vector<16xf32>,
      tpu.vector_store %arg7[%swap3A_58, %swap3A_59], %broadcast_in_dim3A_1 {strides = array<i32>} : memref<64x128xf32, #tpu.memory_space<vmem>>, vector<16xf32>,
      %swap3A_61 = arith.index_cast %scan3A_40 : i32 to index
      %swap3A_62 = arith.constant 112 : index
      %swap3A_63 = tpu.vector_load %arg7[%swap3A_61, %swap3A_62] {strides = array<i32>} : memref<64x128xf32, #tpu.memory_space<vmem>>, vector<16xf32>,
      tpu.vector_store %arg7[%swap3A_61, %swap3A_62], %broadcast_in_dim3A_1 {strides = array<i32>} : memref<64x128xf32, #tpu.memory_space<vmem>>, vector<16xf32>,
    }
    %scan3A_6 = arith.constant 64 : i32
    %add3A = arith.constant 0 : i32
    %add3A_7 = arith.addi %mul3A_0, %add3A : i32
    "tpu.region"() ({
      %run_scoped3A = tpu.sem_alloc : memref<!tpu.dma_semaphore, #tpu.memory_space<semaphore_mem>>
      %dma_start3A = arith.constant 0 : i32
      %dma_start3A_40 = tpu.memref_slice %arg11[%add3A_7, %dma_start3A] : memref<10240x128xf32, #tpu.memory_space<vmem_shared>> -> memref<64x128xf32, #tpu.memory_space<vmem_shared>>
      %dma_start3A_41 = arith.constant 0 : i32
      %dma_start3A_42 = tpu.memref_slice %arg11[%add3A_7, %dma_start3A_41] : memref<10240x128xf32, #tpu.memory_space<vmem_shared>> -> memref<64x128xf32, #tpu.memory_space<vmem_shared>>
      tpu.enqueue_dma source(%arg7 : memref<64x128xf32, #tpu.memory_space<vmem>>) target(%dma_start3A_42 : memref<64x128xf32, #tpu.memory_space<vmem_shared>>) target_semaphore(%run_scoped3A : memref<!tpu.dma_semaphore, #tpu.memory_space<semaphore_mem>>)
      %dma_wait3A = arith.constant 0 : i32
      %dma_wait3A_43 = tpu.memref_slice %arg11[%add3A_7, %dma_wait3A] : memref<10240x128xf32, #tpu.memory_space<vmem_shared>> -> memref<64x128xf32, #tpu.memory_space<vmem_shared>>
      %dma_wait3A_44 = arith.constant 0 : i32
      %dma_wait3A_45 = tpu.memref_slice %arg11[%add3A_7, %dma_wait3A_44] : memref<10240x128xf32, #tpu.memory_space<vmem_shared>> -> memref<64x128xf32, #tpu.memory_space<vmem_shared>>
      tpu.wait_dma2 semaphore(%run_scoped3A : memref<!tpu.dma_semaphore, #tpu.memory_space<semaphore_mem>>) src(%arg7 : memref<64x128xf32, #tpu.memory_space<vmem>>) dst(%dma_wait3A_45 : memref<64x128xf32, #tpu.memory_space<vmem_shared>>)
      tpu.yield
    }) : () -> ()
    %add3A_8 = arith.constant 64 : i32
    %add3A_9 = arith.addi %mul3A_0, %add3A_8 : i32
    "tpu.region"() ({
      %run_scoped3A = tpu.sem_alloc : memref<!tpu.dma_semaphore, #tpu.memory_space<semaphore_mem>>
      %dma_start3A = arith.constant 0 : i32
      %dma_start3A_40 = tpu.memref_slice %arg11[%add3A_9, %dma_start3A] : memref<10240x128xf32, #tpu.memory_space<vmem_shared>> -> memref<64x128xf32, #tpu.memory_space<vmem_shared>>
      %dma_start3A_41 = arith.constant 0 : i32
      %dma_start3A_42 = tpu.memref_slice %arg11[%add3A_9, %dma_start3A_41] : memref<10240x128xf32, #tpu.memory_space<vmem_shared>> -> memref<64x128xf32, #tpu.memory_space<vmem_shared>>
      tpu.enqueue_dma source(%arg7 : memref<64x128xf32, #tpu.memory_space<vmem>>) target(%dma_start3A_42 : memref<64x128xf32, #tpu.memory_space<vmem_shared>>) target_semaphore(%run_scoped3A : memref<!tpu.dma_semaphore, #tpu.memory_space<semaphore_mem>>)
      %dma_wait3A = arith.constant 0 : i32
      %dma_wait3A_43 = tpu.memref_slice %arg11[%add3A_9, %dma_wait3A] : memref<10240x128xf32, #tpu.memory_space<vmem_shared>> -> memref<64x128xf32, #tpu.memory_space<vmem_shared>>
      %dma_wait3A_44 = arith.constant 0 : i32
      %dma_wait3A_45 = tpu.memref_slice %arg11[%add3A_9, %dma_wait3A_44] : memref<10240x128xf32, #tpu.memory_space<vmem_shared>> -> memref<64x128xf32, #tpu.memory_space<vmem_shared>>
      tpu.wait_dma2 semaphore(%run_scoped3A : memref<!tpu.dma_semaphore, #tpu.memory_space<semaphore_mem>>) src(%arg7 : memref<64x128xf32, #tpu.memory_space<vmem>>) dst(%dma_wait3A_45 : memref<64x128xf32, #tpu.memory_space<vmem_shared>>)
      tpu.yield
    }) : () -> ()
    %add3A_10 = arith.constant 128 : i32
    %add3A_11 = arith.addi %mul3A_0, %add3A_10 : i32
    "tpu.region"() ({
      %run_scoped3A = tpu.sem_alloc : memref<!tpu.dma_semaphore, #tpu.memory_space<semaphore_mem>>
      %dma_start3A = arith.constant 0 : i32
      %dma_start3A_40 = tpu.memref_slice %arg11[%add3A_11, %dma_start3A] : memref<10240x128xf32, #tpu.memory_space<vmem_shared>> -> memref<64x128xf32, #tpu.memory_space<vmem_shared>>
      %dma_start3A_41 = arith.constant 0 : i32
      %dma_start3A_42 = tpu.memref_slice %arg11[%add3A_11, %dma_start3A_41] : memref<10240x128xf32, #tpu.memory_space<vmem_shared>> -> memref<64x128xf32, #tpu.memory_space<vmem_shared>>
      tpu.enqueue_dma source(%arg7 : memref<64x128xf32, #tpu.memory_space<vmem>>) target(%dma_start3A_42 : memref<64x128xf32, #tpu.memory_space<vmem_shared>>) target_semaphore(%run_scoped3A : memref<!tpu.dma_semaphore, #tpu.memory_space<semaphore_mem>>)
      %dma_wait3A = arith.constant 0 : i32
      %dma_wait3A_43 = tpu.memref_slice %arg11[%add3A_11, %dma_wait3A] : memref<10240x128xf32, #tpu.memory_space<vmem_shared>> -> memref<64x128xf32, #tpu.memory_space<vmem_shared>>
      %dma_wait3A_44 = arith.constant 0 : i32
      %dma_wait3A_45 = tpu.memref_slice %arg11[%add3A_11, %dma_wait3A_44] : memref<10240x128xf32, #tpu.memory_space<vmem_shared>> -> memref<64x128xf32, #tpu.memory_space<vmem_shared>>
      tpu.wait_dma2 semaphore(%run_scoped3A : memref<!tpu.dma_semaphore, #tpu.memory_space<semaphore_mem>>) src(%arg7 : memref<64x128xf32, #tpu.memory_space<vmem>>) dst(%dma_wait3A_45 : memref<64x128xf32, #tpu.memory_space<vmem_shared>>)
      tpu.yield
    }) : () -> ()
    %add3A_12 = arith.constant 192 : i32
    %add3A_13 = arith.addi %mul3A_0, %add3A_12 : i32
    "tpu.region"() ({
      %run_scoped3A = tpu.sem_alloc : memref<!tpu.dma_semaphore, #tpu.memory_space<semaphore_mem>>
      %dma_start3A = arith.constant 0 : i32
      %dma_start3A_40 = tpu.memref_slice %arg11[%add3A_13, %dma_start3A] : memref<10240x128xf32, #tpu.memory_space<vmem_shared>> -> memref<64x128xf32, #tpu.memory_space<vmem_shared>>
      %dma_start3A_41 = arith.constant 0 : i32
      %dma_start3A_42 = tpu.memref_slice %arg11[%add3A_13, %dma_start3A_41] : memref<10240x128xf32, #tpu.memory_space<vmem_shared>> -> memref<64x128xf32, #tpu.memory_space<vmem_shared>>
      tpu.enqueue_dma source(%arg7 : memref<64x128xf32, #tpu.memory_space<vmem>>) target(%dma_start3A_42 : memref<64x128xf32, #tpu.memory_space<vmem_shared>>) target_semaphore(%run_scoped3A : memref<!tpu.dma_semaphore, #tpu.memory_space<semaphore_mem>>)
      %dma_wait3A = arith.constant 0 : i32
      %dma_wait3A_43 = tpu.memref_slice %arg11[%add3A_13, %dma_wait3A] : memref<10240x128xf32, #tpu.memory_space<vmem_shared>> -> memref<64x128xf32, #tpu.memory_space<vmem_shared>>
      %dma_wait3A_44 = arith.constant 0 : i32
      %dma_wait3A_45 = tpu.memref_slice %arg11[%add3A_13, %dma_wait3A_44] : memref<10240x128xf32, #tpu.memory_space<vmem_shared>> -> memref<64x128xf32, #tpu.memory_space<vmem_shared>>
      tpu.wait_dma2 semaphore(%run_scoped3A : memref<!tpu.dma_semaphore, #tpu.memory_space<semaphore_mem>>) src(%arg7 : memref<64x128xf32, #tpu.memory_space<vmem>>) dst(%dma_wait3A_45 : memref<64x128xf32, #tpu.memory_space<vmem_shared>>)
      tpu.yield
    }) : () -> ()
    %add3A_14 = arith.constant 256 : i32
    %add3A_15 = arith.addi %mul3A_0, %add3A_14 : i32
    "tpu.region"() ({
      %run_scoped3A = tpu.sem_alloc : memref<!tpu.dma_semaphore, #tpu.memory_space<semaphore_mem>>
      %dma_start3A = arith.constant 0 : i32
      %dma_start3A_40 = tpu.memref_slice %arg11[%add3A_15, %dma_start3A] : memref<10240x128xf32, #tpu.memory_space<vmem_shared>> -> memref<64x128xf32, #tpu.memory_space<vmem_shared>>
      %dma_start3A_41 = arith.constant 0 : i32
      %dma_start3A_42 = tpu.memref_slice %arg11[%add3A_15, %dma_start3A_41] : memref<10240x128xf32, #tpu.memory_space<vmem_shared>> -> memref<64x128xf32, #tpu.memory_space<vmem_shared>>
      tpu.enqueue_dma source(%arg7 : memref<64x128xf32, #tpu.memory_space<vmem>>) target(%dma_start3A_42 : memref<64x128xf32, #tpu.memory_space<vmem_shared>>) target_semaphore(%run_scoped3A : memref<!tpu.dma_semaphore, #tpu.memory_space<semaphore_mem>>)
      %dma_wait3A = arith.constant 0 : i32
      %dma_wait3A_43 = tpu.memref_slice %arg11[%add3A_15, %dma_wait3A] : memref<10240x128xf32, #tpu.memory_space<vmem_shared>> -> memref<64x128xf32, #tpu.memory_space<vmem_shared>>
      %dma_wait3A_44 = arith.constant 0 : i32
      %dma_wait3A_45 = tpu.memref_slice %arg11[%add3A_15, %dma_wait3A_44] : memref<10240x128xf32, #tpu.memory_space<vmem_shared>> -> memref<64x128xf32, #tpu.memory_space<vmem_shared>>
      tpu.wait_dma2 semaphore(%run_scoped3A : memref<!tpu.dma_semaphore, #tpu.memory_space<semaphore_mem>>) src(%arg7 : memref<64x128xf32, #tpu.memory_space<vmem>>) dst(%dma_wait3A_45 : memref<64x128xf32, #tpu.memory_space<vmem_shared>>)
      tpu.yield
    }) : () -> ()
    %add3A_16 = arith.constant 320 : i32
    %add3A_17 = arith.addi %mul3A_0, %add3A_16 : i32
    "tpu.region"() ({
      %run_scoped3A = tpu.sem_alloc : memref<!tpu.dma_semaphore, #tpu.memory_space<semaphore_mem>>
      %dma_start3A = arith.constant 0 : i32
      %dma_start3A_40 = tpu.memref_slice %arg11[%add3A_17, %dma_start3A] : memref<10240x128xf32, #tpu.memory_space<vmem_shared>> -> memref<64x128xf32, #tpu.memory_space<vmem_shared>>
      %dma_start3A_41 = arith.constant 0 : i32
      %dma_start3A_42 = tpu.memref_slice %arg11[%add3A_17, %dma_start3A_41] : memref<10240x128xf32, #tpu.memory_space<vmem_shared>> -> memref<64x128xf32, #tpu.memory_space<vmem_shared>>
      tpu.enqueue_dma source(%arg7 : memref<64x128xf32, #tpu.memory_space<vmem>>) target(%dma_start3A_42 : memref<64x128xf32, #tpu.memory_space<vmem_shared>>) target_semaphore(%run_scoped3A : memref<!tpu.dma_semaphore, #tpu.memory_space<semaphore_mem>>)
      %dma_wait3A = arith.constant 0 : i32
      %dma_wait3A_43 = tpu.memref_slice %arg11[%add3A_17, %dma_wait3A] : memref<10240x128xf32, #tpu.memory_space<vmem_shared>> -> memref<64x128xf32, #tpu.memory_space<vmem_shared>>
      %dma_wait3A_44 = arith.constant 0 : i32
      %dma_wait3A_45 = tpu.memref_slice %arg11[%add3A_17, %dma_wait3A_44] : memref<10240x128xf32, #tpu.memory_space<vmem_shared>> -> memref<64x128xf32, #tpu.memory_space<vmem_shared>>
      tpu.wait_dma2 semaphore(%run_scoped3A : memref<!tpu.dma_semaphore, #tpu.memory_space<semaphore_mem>>) src(%arg7 : memref<64x128xf32, #tpu.memory_space<vmem>>) dst(%dma_wait3A_45 : memref<64x128xf32, #tpu.memory_space<vmem_shared>>)
      tpu.yield
    }) : () -> ()
    %add3A_18 = arith.constant 384 : i32
    %add3A_19 = arith.addi %mul3A_0, %add3A_18 : i32
    "tpu.region"() ({
      %run_scoped3A = tpu.sem_alloc : memref<!tpu.dma_semaphore, #tpu.memory_space<semaphore_mem>>
      %dma_start3A = arith.constant 0 : i32
      %dma_start3A_40 = tpu.memref_slice %arg11[%add3A_19, %dma_start3A] : memref<10240x128xf32, #tpu.memory_space<vmem_shared>> -> memref<64x128xf32, #tpu.memory_space<vmem_shared>>
      %dma_start3A_41 = arith.constant 0 : i32
      %dma_start3A_42 = tpu.memref_slice %arg11[%add3A_19, %dma_start3A_41] : memref<10240x128xf32, #tpu.memory_space<vmem_shared>> -> memref<64x128xf32, #tpu.memory_space<vmem_shared>>
      tpu.enqueue_dma source(%arg7 : memref<64x128xf32, #tpu.memory_space<vmem>>) target(%dma_start3A_42 : memref<64x128xf32, #tpu.memory_space<vmem_shared>>) target_semaphore(%run_scoped3A : memref<!tpu.dma_semaphore, #tpu.memory_space<semaphore_mem>>)
      %dma_wait3A = arith.constant 0 : i32
      %dma_wait3A_43 = tpu.memref_slice %arg11[%add3A_19, %dma_wait3A] : memref<10240x128xf32, #tpu.memory_space<vmem_shared>> -> memref<64x128xf32, #tpu.memory_space<vmem_shared>>
      %dma_wait3A_44 = arith.constant 0 : i32
      %dma_wait3A_45 = tpu.memref_slice %arg11[%add3A_19, %dma_wait3A_44] : memref<10240x128xf32, #tpu.memory_space<vmem_shared>> -> memref<64x128xf32, #tpu.memory_space<vmem_shared>>
      tpu.wait_dma2 semaphore(%run_scoped3A : memref<!tpu.dma_semaphore, #tpu.memory_space<semaphore_mem>>) src(%arg7 : memref<64x128xf32, #tpu.memory_space<vmem>>) dst(%dma_wait3A_45 : memref<64x128xf32, #tpu.memory_space<vmem_shared>>)
      tpu.yield
    }) : () -> ()
    %add3A_20 = arith.constant 448 : i32
    %add3A_21 = arith.addi %mul3A_0, %add3A_20 : i32
    "tpu.region"() ({
      %run_scoped3A = tpu.sem_alloc : memref<!tpu.dma_semaphore, #tpu.memory_space<semaphore_mem>>
      %dma_start3A = arith.constant 0 : i32
      %dma_start3A_40 = tpu.memref_slice %arg11[%add3A_21, %dma_start3A] : memref<10240x128xf32, #tpu.memory_space<vmem_shared>> -> memref<64x128xf32, #tpu.memory_space<vmem_shared>>
      %dma_start3A_41 = arith.constant 0 : i32
      %dma_start3A_42 = tpu.memref_slice %arg11[%add3A_21, %dma_start3A_41] : memref<10240x128xf32, #tpu.memory_space<vmem_shared>> -> memref<64x128xf32, #tpu.memory_space<vmem_shared>>
      tpu.enqueue_dma source(%arg7 : memref<64x128xf32, #tpu.memory_space<vmem>>) target(%dma_start3A_42 : memref<64x128xf32, #tpu.memory_space<vmem_shared>>) target_semaphore(%run_scoped3A : memref<!tpu.dma_semaphore, #tpu.memory_space<semaphore_mem>>)
      %dma_wait3A = arith.constant 0 : i32
      %dma_wait3A_43 = tpu.memref_slice %arg11[%add3A_21, %dma_wait3A] : memref<10240x128xf32, #tpu.memory_space<vmem_shared>> -> memref<64x128xf32, #tpu.memory_space<vmem_shared>>
      %dma_wait3A_44 = arith.constant 0 : i32
      %dma_wait3A_45 = tpu.memref_slice %arg11[%add3A_21, %dma_wait3A_44] : memref<10240x128xf32, #tpu.memory_space<vmem_shared>> -> memref<64x128xf32, #tpu.memory_space<vmem_shared>>
      tpu.wait_dma2 semaphore(%run_scoped3A : memref<!tpu.dma_semaphore, #tpu.memory_space<semaphore_mem>>) src(%arg7 : memref<64x128xf32, #tpu.memory_space<vmem>>) dst(%dma_wait3A_45 : memref<64x128xf32, #tpu.memory_space<vmem_shared>>)
      tpu.yield
    }) : () -> ()
    %add3A_22 = arith.constant 512 : i32
    %add3A_23 = arith.addi %mul3A_0, %add3A_22 : i32
    "tpu.region"() ({
      %run_scoped3A = tpu.sem_alloc : memref<!tpu.dma_semaphore, #tpu.memory_space<semaphore_mem>>
      %dma_start3A = arith.constant 0 : i32
      %dma_start3A_40 = tpu.memref_slice %arg11[%add3A_23, %dma_start3A] : memref<10240x128xf32, #tpu.memory_space<vmem_shared>> -> memref<64x128xf32, #tpu.memory_space<vmem_shared>>
      %dma_start3A_41 = arith.constant 0 : i32
      %dma_start3A_42 = tpu.memref_slice %arg11[%add3A_23, %dma_start3A_41] : memref<10240x128xf32, #tpu.memory_space<vmem_shared>> -> memref<64x128xf32, #tpu.memory_space<vmem_shared>>
      tpu.enqueue_dma source(%arg7 : memref<64x128xf32, #tpu.memory_space<vmem>>) target(%dma_start3A_42 : memref<64x128xf32, #tpu.memory_space<vmem_shared>>) target_semaphore(%run_scoped3A : memref<!tpu.dma_semaphore, #tpu.memory_space<semaphore_mem>>)
      %dma_wait3A = arith.constant 0 : i32
      %dma_wait3A_43 = tpu.memref_slice %arg11[%add3A_23, %dma_wait3A] : memref<10240x128xf32, #tpu.memory_space<vmem_shared>> -> memref<64x128xf32, #tpu.memory_space<vmem_shared>>
      %dma_wait3A_44 = arith.constant 0 : i32
      %dma_wait3A_45 = tpu.memref_slice %arg11[%add3A_23, %dma_wait3A_44] : memref<10240x128xf32, #tpu.memory_space<vmem_shared>> -> memref<64x128xf32, #tpu.memory_space<vmem_shared>>
      tpu.wait_dma2 semaphore(%run_scoped3A : memref<!tpu.dma_semaphore, #tpu.memory_space<semaphore_mem>>) src(%arg7 : memref<64x128xf32, #tpu.memory_space<vmem>>) dst(%dma_wait3A_45 : memref<64x128xf32, #tpu.memory_space<vmem_shared>>)
      tpu.yield
    }) : () -> ()
    %add3A_24 = arith.constant 576 : i32
    %add3A_25 = arith.addi %mul3A_0, %add3A_24 : i32
    "tpu.region"() ({
      %run_scoped3A = tpu.sem_alloc : memref<!tpu.dma_semaphore, #tpu.memory_space<semaphore_mem>>
      %dma_start3A = arith.constant 0 : i32
      %dma_start3A_40 = tpu.memref_slice %arg11[%add3A_25, %dma_start3A] : memref<10240x128xf32, #tpu.memory_space<vmem_shared>> -> memref<64x128xf32, #tpu.memory_space<vmem_shared>>
      %dma_start3A_41 = arith.constant 0 : i32
      %dma_start3A_42 = tpu.memref_slice %arg11[%add3A_25, %dma_start3A_41] : memref<10240x128xf32, #tpu.memory_space<vmem_shared>> -> memref<64x128xf32, #tpu.memory_space<vmem_shared>>
      tpu.enqueue_dma source(%arg7 : memref<64x128xf32, #tpu.memory_space<vmem>>) target(%dma_start3A_42 : memref<64x128xf32, #tpu.memory_space<vmem_shared>>) target_semaphore(%run_scoped3A : memref<!tpu.dma_semaphore, #tpu.memory_space<semaphore_mem>>)
      %dma_wait3A = arith.constant 0 : i32
      %dma_wait3A_43 = tpu.memref_slice %arg11[%add3A_25, %dma_wait3A] : memref<10240x128xf32, #tpu.memory_space<vmem_shared>> -> memref<64x128xf32, #tpu.memory_space<vmem_shared>>
      %dma_wait3A_44 = arith.constant 0 : i32
      %dma_wait3A_45 = tpu.memref_slice %arg11[%add3A_25, %dma_wait3A_44] : memref<10240x128xf32, #tpu.memory_space<vmem_shared>> -> memref<64x128xf32, #tpu.memory_space<vmem_shared>>
      tpu.wait_dma2 semaphore(%run_scoped3A : memref<!tpu.dma_semaphore, #tpu.memory_space<semaphore_mem>>) src(%arg7 : memref<64x128xf32, #tpu.memory_space<vmem>>) dst(%dma_wait3A_45 : memref<64x128xf32, #tpu.memory_space<vmem_shared>>)
      tpu.yield
    }) : () -> ()
    %barrier3A = arith.constant 0 : index
    tpu.barrier barrier_id(%barrier3A)
    %mul3A_26 = arith.constant 2 : i32
    %mul3A_27 = arith.muli %arg1, %mul3A_26 : i32
    %add3A_28 = arith.addi %mul3A_27, %arg0 : i32
    %mul3A_29 = arith.constant 156 : i32
    %mul3A_30 = arith.muli %add3A_28, %mul3A_29 : i32
    %scan3A_31 = arith.constant 0 : i32
    %scan3A_32 = arith.constant 0 : i32
    %scan3A_33 = arith.constant 3 : i32
    %scan3A_34 = arith.addi %scan3A_32, %scan3A_33 : i32
    %scan3A_35 = arith.constant 1 : i32
    scf.for %scan3A_40 = %scan3A_32 to %scan3A_34 step %scan3A_35  : i32 {
      %mul3A_41 = arith.constant 52 : i32
      %mul3A_42 = arith.muli %scan3A_40, %mul3A_41 : i32
      %add3A_43 = arith.addi %mul3A_30, %mul3A_42 : i32
      %run_scoped3A = arith.constant 0 : i32
      "tpu.region"() ({
        %run_scoped3A_83 = tpu.sem_alloc : memref<!tpu.dma_semaphore, #tpu.memory_space<semaphore_mem>>
        %dma_start3A_84 = arith.constant 0 : i32
        %dma_start3A_85 = arith.constant 0 : i32
        %dma_start3A_86 = tpu.memref_slice %arg3[%run_scoped3A, %add3A_43, %dma_start3A_84, %dma_start3A_85] : memref<2x5000x1x64xi32, #tpu.memory_space<hbm>> -> memref<1x52x1x64xi32, #tpu.memory_space<hbm>>
        %dma_start3A_87 = tpu.memref_squeeze %dma_start3A_86 : memref<1x52x1x64xi32, #tpu.memory_space<hbm>> -> memref<52x1x64xi32, #tpu.memory_space<hbm>>
        %dma_start3A_88 = arith.constant 0 : i32
        %dma_start3A_89 = arith.constant 0 : i32
        %dma_start3A_90 = tpu.memref_slice %arg3[%run_scoped3A, %add3A_43, %dma_start3A_88, %dma_start3A_89] : memref<2x5000x1x64xi32, #tpu.memory_space<hbm>> -> memref<1x52x1x64xi32, #tpu.memory_space<hbm>>
        %dma_start3A_91 = tpu.memref_squeeze %dma_start3A_90 : memref<1x52x1x64xi32, #tpu.memory_space<hbm>> -> memref<52x1x64xi32, #tpu.memory_space<hbm>>
        tpu.enqueue_dma source(%dma_start3A_91 : memref<52x1x64xi32, #tpu.memory_space<hbm>>) target(%arg5 : memref<52x1x64xi32, #tpu.memory_space<vmem>>) target_semaphore(%run_scoped3A_83 : memref<!tpu.dma_semaphore, #tpu.memory_space<semaphore_mem>>)
        %dma_wait3A_92 = arith.constant 0 : i32
        %dma_wait3A_93 = arith.constant 0 : i32
        %dma_wait3A_94 = tpu.memref_slice %arg3[%run_scoped3A, %add3A_43, %dma_wait3A_92, %dma_wait3A_93] : memref<2x5000x1x64xi32, #tpu.memory_space<hbm>> -> memref<1x52x1x64xi32, #tpu.memory_space<hbm>>
        %dma_wait3A_95 = tpu.memref_squeeze %dma_wait3A_94 : memref<1x52x1x64xi32, #tpu.memory_space<hbm>> -> memref<52x1x64xi32, #tpu.memory_space<hbm>>
        %dma_wait3A_96 = arith.constant 0 : i32
        %dma_wait3A_97 = arith.constant 0 : i32
        %dma_wait3A_98 = tpu.memref_slice %arg3[%run_scoped3A, %add3A_43, %dma_wait3A_96, %dma_wait3A_97] : memref<2x5000x1x64xi32, #tpu.memory_space<hbm>> -> memref<1x52x1x64xi32, #tpu.memory_space<hbm>>
        %dma_wait3A_99 = tpu.memref_squeeze %dma_wait3A_98 : memref<1x52x1x64xi32, #tpu.memory_space<hbm>> -> memref<52x1x64xi32, #tpu.memory_space<hbm>>
        tpu.wait_dma2 semaphore(%run_scoped3A_83 : memref<!tpu.dma_semaphore, #tpu.memory_space<semaphore_mem>>) src(%dma_wait3A_99 : memref<52x1x64xi32, #tpu.memory_space<hbm>>) dst(%arg5 : memref<52x1x64xi32, #tpu.memory_space<vmem>>)
        tpu.yield
      }) : () -> ()
      %mul3A_44 = arith.constant 52 : i32
      %mul3A_45 = arith.muli %scan3A_40, %mul3A_44 : i32
      %add3A_46 = arith.addi %mul3A_30, %mul3A_45 : i32
      %run_scoped3A_47 = arith.constant 1 : i32
      "tpu.region"() ({
        %run_scoped3A_83 = tpu.sem_alloc : memref<!tpu.dma_semaphore, #tpu.memory_space<semaphore_mem>>
        %dma_start3A_84 = arith.constant 0 : i32
        %dma_start3A_85 = arith.constant 0 : i32
        %dma_start3A_86 = tpu.memref_slice %arg3[%run_scoped3A_47, %add3A_46, %dma_start3A_84, %dma_start3A_85] : memref<2x5000x1x64xi32, #tpu.memory_space<hbm>> -> memref<1x52x1x64xi32, #tpu.memory_space<hbm>>
        %dma_start3A_87 = tpu.memref_squeeze %dma_start3A_86 : memref<1x52x1x64xi32, #tpu.memory_space<hbm>> -> memref<52x1x64xi32, #tpu.memory_space<hbm>>
        %dma_start3A_88 = arith.constant 0 : i32
        %dma_start3A_89 = arith.constant 0 : i32
        %dma_start3A_90 = tpu.memref_slice %arg3[%run_scoped3A_47, %add3A_46, %dma_start3A_88, %dma_start3A_89] : memref<2x5000x1x64xi32, #tpu.memory_space<hbm>> -> memref<1x52x1x64xi32, #tpu.memory_space<hbm>>
        %dma_start3A_91 = tpu.memref_squeeze %dma_start3A_90 : memref<1x52x1x64xi32, #tpu.memory_space<hbm>> -> memref<52x1x64xi32, #tpu.memory_space<hbm>>
        tpu.enqueue_dma source(%dma_start3A_91 : memref<52x1x64xi32, #tpu.memory_space<hbm>>) target(%arg6 : memref<52x1x64xi32, #tpu.memory_space<vmem>>) target_semaphore(%run_scoped3A_83 : memref<!tpu.dma_semaphore, #tpu.memory_space<semaphore_mem>>)
        %dma_wait3A_92 = arith.constant 0 : i32
        %dma_wait3A_93 = arith.constant 0 : i32
        %dma_wait3A_94 = tpu.memref_slice %arg3[%run_scoped3A_47, %add3A_46, %dma_wait3A_92, %dma_wait3A_93] : memref<2x5000x1x64xi32, #tpu.memory_space<hbm>> -> memref<1x52x1x64xi32, #tpu.memory_space<hbm>>
        %dma_wait3A_95 = tpu.memref_squeeze %dma_wait3A_94 : memref<1x52x1x64xi32, #tpu.memory_space<hbm>> -> memref<52x1x64xi32, #tpu.memory_space<hbm>>
        %dma_wait3A_96 = arith.constant 0 : i32
        %dma_wait3A_97 = arith.constant 0 : i32
        %dma_wait3A_98 = tpu.memref_slice %arg3[%run_scoped3A_47, %add3A_46, %dma_wait3A_96, %dma_wait3A_97] : memref<2x5000x1x64xi32, #tpu.memory_space<hbm>> -> memref<1x52x1x64xi32, #tpu.memory_space<hbm>>
        %dma_wait3A_99 = tpu.memref_squeeze %dma_wait3A_98 : memref<1x52x1x64xi32, #tpu.memory_space<hbm>> -> memref<52x1x64xi32, #tpu.memory_space<hbm>>
        tpu.wait_dma2 semaphore(%run_scoped3A_83 : memref<!tpu.dma_semaphore, #tpu.memory_space<semaphore_mem>>) src(%dma_wait3A_99 : memref<52x1x64xi32, #tpu.memory_space<hbm>>) dst(%arg6 : memref<52x1x64xi32, #tpu.memory_space<vmem>>)
        tpu.yield
      }) : () -> ()
      %dma_start3A = arith.constant 0 : i32
      %dma_start3A_48 = arith.constant 0 : i32
      %dma_start3A_49 = arith.constant 0 : i32
      %dma_start3A_50 = tpu.memref_slice %arg5[%dma_start3A, %dma_start3A_48, %dma_start3A_49] : memref<52x1x64xi32, #tpu.memory_space<vmem>> -> memref<1x1x64xi32, #tpu.memory_space<vmem>>
      %dma_start3A_51 = tpu.memref_squeeze %dma_start3A_50 : memref<1x1x64xi32, #tpu.memory_space<vmem>> -> memref<64xi32, #tpu.memory_space<vmem>>
      %dma_start3A_52 = arith.constant 0 : i32
      %dma_start3A_53 = arith.constant 0 : i32
      %dma_start3A_54 = tpu.memref_slice %arg2[%dma_start3A_52, %dma_start3A_53] : memref<10240x128xf32, #tpu.memory_space<hbm>> -> memref<10240x128xf32, #tpu.memory_space<hbm>>
      tpu.enqueue_indirect_dma source(%dma_start3A_54 : memref<10240x128xf32, #tpu.memory_space<hbm>>) target(%arg7 : memref<64x128xf32, #tpu.memory_space<vmem>>) offsets(%dma_start3A_51 : memref<64xi32, #tpu.memory_space<vmem>>) semaphore(%arg12 : memref<!tpu.dma_semaphore, #tpu.memory_space<semaphore_mem>>)
      %dma_start3A_55 = arith.constant 1 : i32
      %dma_start3A_56 = arith.constant 0 : i32
      %dma_start3A_57 = arith.constant 0 : i32
      %dma_start3A_58 = tpu.memref_slice %arg5[%dma_start3A_55, %dma_start3A_56, %dma_start3A_57] : memref<52x1x64xi32, #tpu.memory_space<vmem>> -> memref<1x1x64xi32, #tpu.memory_space<vmem>>
      %dma_start3A_59 = tpu.memref_squeeze %dma_start3A_58 : memref<1x1x64xi32, #tpu.memory_space<vmem>> -> memref<64xi32, #tpu.memory_space<vmem>>
      %dma_start3A_60 = arith.constant 0 : i32
      %dma_start3A_61 = arith.constant 0 : i32
      %dma_start3A_62 = tpu.memref_slice %arg2[%dma_start3A_60, %dma_start3A_61] : memref<10240x128xf32, #tpu.memory_space<hbm>> -> memref<10240x128xf32, #tpu.memory_space<hbm>>
      tpu.enqueue_indirect_dma source(%dma_start3A_62 : memref<10240x128xf32, #tpu.memory_space<hbm>>) target(%arg8 : memref<64x128xf32, #tpu.memory_space<vmem>>) offsets(%dma_start3A_59 : memref<64xi32, #tpu.memory_space<vmem>>) semaphore(%arg13 : memref<!tpu.dma_semaphore, #tpu.memory_space<semaphore_mem>>)
      %scan3A_63 = arith.constant 0 : i32
      %scan3A_64 = arith.constant 13 : i32
      %scan3A_65 = arith.addi %scan3A_63, %scan3A_64 : i32
      %scan3A_66 = arith.constant 1 : i32
      scf.for %scan3A_83 = %scan3A_63 to %scan3A_65 step %scan3A_66  : i32 {
        %mul3A_84 = arith.constant 4 : i32
        %mul3A_85 = arith.muli %mul3A_84, %scan3A_83 : i32
        %add3A_86 = arith.constant 0 : i32
        %add3A_87 = arith.addi %mul3A_85, %add3A_86 : i32
        %ge3A_88 = arith.constant 2 : i32
        %ge3A_89 = arith.cmpi sge, %add3A_87, %ge3A_88 : i32
        %convert_element_type3A_90 = arith.extui %ge3A_89 : i1 to i32
        %cond3A_91 = arith.constant 0 : i32
        %cond3A_92 = arith.cmpi ne, %convert_element_type3A_90, %cond3A_91 : i32
        scf.if %cond3A_92 {
          %dma_wait3A_197 = arith.constant 0 : i32
          %dma_wait3A_198 = arith.constant 0 : i32
          %dma_wait3A_199 = arith.constant 0 : i32
          %dma_wait3A_200 = tpu.memref_slice %arg6[%dma_wait3A_197, %dma_wait3A_198, %dma_wait3A_199] : memref<52x1x64xi32, #tpu.memory_space<vmem>> -> memref<1x1x64xi32, #tpu.memory_space<vmem>>
          %dma_wait3A_201 = tpu.memref_squeeze %dma_wait3A_200 : memref<1x1x64xi32, #tpu.memory_space<vmem>> -> memref<64xi32, #tpu.memory_space<vmem>>
          %dma_wait3A_202 = arith.constant 0 : i32
          %dma_wait3A_203 = arith.constant 0 : i32
          %dma_wait3A_204 = tpu.memref_slice %arg11[%dma_wait3A_202, %dma_wait3A_203] : memref<10240x128xf32, #tpu.memory_space<vmem_shared>> -> memref<10240x128xf32, #tpu.memory_space<vmem_shared>>
          tpu.wait_indirect_dma semaphore(%arg18 : memref<!tpu.dma_semaphore, #tpu.memory_space<semaphore_mem>>) src(%arg9 : memref<64x128xf32, #tpu.memory_space<vmem>>) dst(%dma_wait3A_204 : memref<10240x128xf32, #tpu.memory_space<vmem_shared>>)
        } else {
        }
        %add3A_93 = arith.constant 2 : i32
        %add3A_94 = arith.addi %add3A_87, %add3A_93 : i32
        %lt3A = arith.constant 52 : i32
        %lt3A_95 = arith.cmpi slt, %add3A_94, %lt3A : i32
        %convert_element_type3A_96 = arith.extui %lt3A_95 : i1 to i32
        %cond3A_97 = arith.constant 0 : i32
        %cond3A_98 = arith.cmpi ne, %convert_element_type3A_96, %cond3A_97 : i32
        scf.if %cond3A_98 {
          %add3A_197 = arith.constant 2 : i32
          %add3A_198 = arith.addi %add3A_87, %add3A_197 : i32
          %dma_start3A_199 = arith.constant 0 : i32
          %dma_start3A_200 = arith.constant 0 : i32
          %dma_start3A_201 = tpu.memref_slice %arg5[%add3A_198, %dma_start3A_199, %dma_start3A_200] : memref<52x1x64xi32, #tpu.memory_space<vmem>> -> memref<1x1x64xi32, #tpu.memory_space<vmem>>
          %dma_start3A_202 = tpu.memref_squeeze %dma_start3A_201 : memref<1x1x64xi32, #tpu.memory_space<vmem>> -> memref<64xi32, #tpu.memory_space<vmem>>
          %dma_start3A_203 = arith.constant 0 : i32
          %dma_start3A_204 = arith.constant 0 : i32
          %dma_start3A_205 = tpu.memref_slice %arg2[%dma_start3A_203, %dma_start3A_204] : memref<10240x128xf32, #tpu.memory_space<hbm>> -> memref<10240x128xf32, #tpu.memory_space<hbm>>
          tpu.enqueue_indirect_dma source(%dma_start3A_205 : memref<10240x128xf32, #tpu.memory_space<hbm>>) target(%arg9 : memref<64x128xf32, #tpu.memory_space<vmem>>) offsets(%dma_start3A_202 : memref<64xi32, #tpu.memory_space<vmem>>) semaphore(%arg14 : memref<!tpu.dma_semaphore, #tpu.memory_space<semaphore_mem>>)
        } else {
        }
        %dma_wait3A_99 = arith.constant 0 : i32
        %dma_wait3A_100 = arith.constant 0 : i32
        %dma_wait3A_101 = tpu.memref_slice %arg5[%add3A_87, %dma_wait3A_99, %dma_wait3A_100] : memref<52x1x64xi32, #tpu.memory_space<vmem>> -> memref<1x1x64xi32, #tpu.memory_space<vmem>>
        %dma_wait3A_102 = tpu.memref_squeeze %dma_wait3A_101 : memref<1x1x64xi32, #tpu.memory_space<vmem>> -> memref<64xi32, #tpu.memory_space<vmem>>
        %dma_wait3A_103 = arith.constant 0 : i32
        %dma_wait3A_104 = arith.constant 0 : i32
        %dma_wait3A_105 = tpu.memref_slice %arg2[%dma_wait3A_103, %dma_wait3A_104] : memref<10240x128xf32, #tpu.memory_space<hbm>> -> memref<10240x128xf32, #tpu.memory_space<hbm>>
        tpu.wait_indirect_dma semaphore(%arg12 : memref<!tpu.dma_semaphore, #tpu.memory_space<semaphore_mem>>) src(%dma_wait3A_105 : memref<10240x128xf32, #tpu.memory_space<hbm>>) dst(%arg7 : memref<64x128xf32, #tpu.memory_space<vmem>>)
        %dma_start3A_106 = arith.constant 0 : i32
        %dma_start3A_107 = arith.constant 0 : i32
        %dma_start3A_108 = tpu.memref_slice %arg6[%add3A_87, %dma_start3A_106, %dma_start3A_107] : memref<52x1x64xi32, #tpu.memory_space<vmem>> -> memref<1x1x64xi32, #tpu.memory_space<vmem>>
        %dma_start3A_109 = tpu.memref_squeeze %dma_start3A_108 : memref<1x1x64xi32, #tpu.memory_space<vmem>> -> memref<64xi32, #tpu.memory_space<vmem>>
        %dma_start3A_110 = arith.constant 0 : i32
        %dma_start3A_111 = arith.constant 0 : i32
        %dma_start3A_112 = tpu.memref_slice %arg11[%dma_start3A_110, %dma_start3A_111] : memref<10240x128xf32, #tpu.memory_space<vmem_shared>> -> memref<10240x128xf32, #tpu.memory_space<vmem_shared>>
        tpu.enqueue_indirect_dma source(%arg7 : memref<64x128xf32, #tpu.memory_space<vmem>>) target(%dma_start3A_112 : memref<10240x128xf32, #tpu.memory_space<vmem_shared>>) offsets(%dma_start3A_109 : memref<64xi32, #tpu.memory_space<vmem>>) semaphore(%arg16 : memref<!tpu.dma_semaphore, #tpu.memory_space<semaphore_mem>>) {add = true}
        %add3A_113 = arith.constant 1 : i32
        %add3A_114 = arith.addi %mul3A_85, %add3A_113 : i32
        %ge3A_115 = arith.constant 2 : i32
        %ge3A_116 = arith.cmpi sge, %add3A_114, %ge3A_115 : i32
        %convert_element_type3A_117 = arith.extui %ge3A_116 : i1 to i32
        %cond3A_118 = arith.constant 0 : i32
        %cond3A_119 = arith.cmpi ne, %convert_element_type3A_117, %cond3A_118 : i32
        scf.if %cond3A_119 {
          %dma_wait3A_197 = arith.constant 0 : i32
          %dma_wait3A_198 = arith.constant 0 : i32
          %dma_wait3A_199 = arith.constant 0 : i32
          %dma_wait3A_200 = tpu.memref_slice %arg6[%dma_wait3A_197, %dma_wait3A_198, %dma_wait3A_199] : memref<52x1x64xi32, #tpu.memory_space<vmem>> -> memref<1x1x64xi32, #tpu.memory_space<vmem>>
          %dma_wait3A_201 = tpu.memref_squeeze %dma_wait3A_200 : memref<1x1x64xi32, #tpu.memory_space<vmem>> -> memref<64xi32, #tpu.memory_space<vmem>>
          %dma_wait3A_202 = arith.constant 0 : i32
          %dma_wait3A_203 = arith.constant 0 : i32
          %dma_wait3A_204 = tpu.memref_slice %arg11[%dma_wait3A_202, %dma_wait3A_203] : memref<10240x128xf32, #tpu.memory_space<vmem_shared>> -> memref<10240x128xf32, #tpu.memory_space<vmem_shared>>
          tpu.wait_indirect_dma semaphore(%arg19 : memref<!tpu.dma_semaphore, #tpu.memory_space<semaphore_mem>>) src(%arg10 : memref<64x128xf32, #tpu.memory_space<vmem>>) dst(%dma_wait3A_204 : memref<10240x128xf32, #tpu.memory_space<vmem_shared>>)
        } else {
        }
        %add3A_120 = arith.constant 2 : i32
        %add3A_121 = arith.addi %add3A_114, %add3A_120 : i32
        %lt3A_122 = arith.constant 52 : i32
        %lt3A_123 = arith.cmpi slt, %add3A_121, %lt3A_122 : i32
        %convert_element_type3A_124 = arith.extui %lt3A_123 : i1 to i32
        %cond3A_125 = arith.constant 0 : i32
        %cond3A_126 = arith.cmpi ne, %convert_element_type3A_124, %cond3A_125 : i32
        scf.if %cond3A_126 {
          %add3A_197 = arith.constant 2 : i32
          %add3A_198 = arith.addi %add3A_114, %add3A_197 : i32
          %dma_start3A_199 = arith.constant 0 : i32
          %dma_start3A_200 = arith.constant 0 : i32
          %dma_start3A_201 = tpu.memref_slice %arg5[%add3A_198, %dma_start3A_199, %dma_start3A_200] : memref<52x1x64xi32, #tpu.memory_space<vmem>> -> memref<1x1x64xi32, #tpu.memory_space<vmem>>
          %dma_start3A_202 = tpu.memref_squeeze %dma_start3A_201 : memref<1x1x64xi32, #tpu.memory_space<vmem>> -> memref<64xi32, #tpu.memory_space<vmem>>
          %dma_start3A_203 = arith.constant 0 : i32
          %dma_start3A_204 = arith.constant 0 : i32
          %dma_start3A_205 = tpu.memref_slice %arg2[%dma_start3A_203, %dma_start3A_204] : memref<10240x128xf32, #tpu.memory_space<hbm>> -> memref<10240x128xf32, #tpu.memory_space<hbm>>
          tpu.enqueue_indirect_dma source(%dma_start3A_205 : memref<10240x128xf32, #tpu.memory_space<hbm>>) target(%arg10 : memref<64x128xf32, #tpu.memory_space<vmem>>) offsets(%dma_start3A_202 : memref<64xi32, #tpu.memory_space<vmem>>) semaphore(%arg15 : memref<!tpu.dma_semaphore, #tpu.memory_space<semaphore_mem>>)
        } else {
        }
        %dma_wait3A_127 = arith.constant 0 : i32
        %dma_wait3A_128 = arith.constant 0 : i32
        %dma_wait3A_129 = tpu.memref_slice %arg5[%add3A_114, %dma_wait3A_127, %dma_wait3A_128] : memref<52x1x64xi32, #tpu.memory_space<vmem>> -> memref<1x1x64xi32, #tpu.memory_space<vmem>>
        %dma_wait3A_130 = tpu.memref_squeeze %dma_wait3A_129 : memref<1x1x64xi32, #tpu.memory_space<vmem>> -> memref<64xi32, #tpu.memory_space<vmem>>
        %dma_wait3A_131 = arith.constant 0 : i32
        %dma_wait3A_132 = arith.constant 0 : i32
        %dma_wait3A_133 = tpu.memref_slice %arg2[%dma_wait3A_131, %dma_wait3A_132] : memref<10240x128xf32, #tpu.memory_space<hbm>> -> memref<10240x128xf32, #tpu.memory_space<hbm>>
        tpu.wait_indirect_dma semaphore(%arg13 : memref<!tpu.dma_semaphore, #tpu.memory_space<semaphore_mem>>) src(%dma_wait3A_133 : memref<10240x128xf32, #tpu.memory_space<hbm>>) dst(%arg8 : memref<64x128xf32, #tpu.memory_space<vmem>>)
        %dma_start3A_134 = arith.constant 0 : i32
        %dma_start3A_135 = arith.constant 0 : i32
        %dma_start3A_136 = tpu.memref_slice %arg6[%add3A_114, %dma_start3A_134, %dma_start3A_135] : memref<52x1x64xi32, #tpu.memory_space<vmem>> -> memref<1x1x64xi32, #tpu.memory_space<vmem>>
        %dma_start3A_137 = tpu.memref_squeeze %dma_start3A_136 : memref<1x1x64xi32, #tpu.memory_space<vmem>> -> memref<64xi32, #tpu.memory_space<vmem>>
        %dma_start3A_138 = arith.constant 0 : i32
        %dma_start3A_139 = arith.constant 0 : i32
        %dma_start3A_140 = tpu.memref_slice %arg11[%dma_start3A_138, %dma_start3A_139] : memref<10240x128xf32, #tpu.memory_space<vmem_shared>> -> memref<10240x128xf32, #tpu.memory_space<vmem_shared>>
        tpu.enqueue_indirect_dma source(%arg8 : memref<64x128xf32, #tpu.memory_space<vmem>>) target(%dma_start3A_140 : memref<10240x128xf32, #tpu.memory_space<vmem_shared>>) offsets(%dma_start3A_137 : memref<64xi32, #tpu.memory_space<vmem>>) semaphore(%arg17 : memref<!tpu.dma_semaphore, #tpu.memory_space<semaphore_mem>>) {add = true}
        %add3A_141 = arith.constant 2 : i32
        %add3A_142 = arith.addi %mul3A_85, %add3A_141 : i32
        %ge3A_143 = arith.constant 2 : i32
        %ge3A_144 = arith.cmpi sge, %add3A_142, %ge3A_143 : i32
        %convert_element_type3A_145 = arith.extui %ge3A_144 : i1 to i32
        %cond3A_146 = arith.constant 0 : i32
        %cond3A_147 = arith.cmpi ne, %convert_element_type3A_145, %cond3A_146 : i32
        scf.if %cond3A_147 {
          %dma_wait3A_197 = arith.constant 0 : i32
          %dma_wait3A_198 = arith.constant 0 : i32
          %dma_wait3A_199 = arith.constant 0 : i32
          %dma_wait3A_200 = tpu.memref_slice %arg6[%dma_wait3A_197, %dma_wait3A_198, %dma_wait3A_199] : memref<52x1x64xi32, #tpu.memory_space<vmem>> -> memref<1x1x64xi32, #tpu.memory_space<vmem>>
          %dma_wait3A_201 = tpu.memref_squeeze %dma_wait3A_200 : memref<1x1x64xi32, #tpu.memory_space<vmem>> -> memref<64xi32, #tpu.memory_space<vmem>>
          %dma_wait3A_202 = arith.constant 0 : i32
          %dma_wait3A_203 = arith.constant 0 : i32
          %dma_wait3A_204 = tpu.memref_slice %arg11[%dma_wait3A_202, %dma_wait3A_203] : memref<10240x128xf32, #tpu.memory_space<vmem_shared>> -> memref<10240x128xf32, #tpu.memory_space<vmem_shared>>
          tpu.wait_indirect_dma semaphore(%arg16 : memref<!tpu.dma_semaphore, #tpu.memory_space<semaphore_mem>>) src(%arg7 : memref<64x128xf32, #tpu.memory_space<vmem>>) dst(%dma_wait3A_204 : memref<10240x128xf32, #tpu.memory_space<vmem_shared>>)
        } else {
        }
        %add3A_148 = arith.constant 2 : i32
        %add3A_149 = arith.addi %add3A_142, %add3A_148 : i32
        %lt3A_150 = arith.constant 52 : i32
        %lt3A_151 = arith.cmpi slt, %add3A_149, %lt3A_150 : i32
        %convert_element_type3A_152 = arith.extui %lt3A_151 : i1 to i32
        %cond3A_153 = arith.constant 0 : i32
        %cond3A_154 = arith.cmpi ne, %convert_element_type3A_152, %cond3A_153 : i32
        scf.if %cond3A_154 {
          %add3A_197 = arith.constant 2 : i32
          %add3A_198 = arith.addi %add3A_142, %add3A_197 : i32
          %dma_start3A_199 = arith.constant 0 : i32
          %dma_start3A_200 = arith.constant 0 : i32
          %dma_start3A_201 = tpu.memref_slice %arg5[%add3A_198, %dma_start3A_199, %dma_start3A_200] : memref<52x1x64xi32, #tpu.memory_space<vmem>> -> memref<1x1x64xi32, #tpu.memory_space<vmem>>
          %dma_start3A_202 = tpu.memref_squeeze %dma_start3A_201 : memref<1x1x64xi32, #tpu.memory_space<vmem>> -> memref<64xi32, #tpu.memory_space<vmem>>
          %dma_start3A_203 = arith.constant 0 : i32
          %dma_start3A_204 = arith.constant 0 : i32
          %dma_start3A_205 = tpu.memref_slice %arg2[%dma_start3A_203, %dma_start3A_204] : memref<10240x128xf32, #tpu.memory_space<hbm>> -> memref<10240x128xf32, #tpu.memory_space<hbm>>
          tpu.enqueue_indirect_dma source(%dma_start3A_205 : memref<10240x128xf32, #tpu.memory_space<hbm>>) target(%arg7 : memref<64x128xf32, #tpu.memory_space<vmem>>) offsets(%dma_start3A_202 : memref<64xi32, #tpu.memory_space<vmem>>) semaphore(%arg12 : memref<!tpu.dma_semaphore, #tpu.memory_space<semaphore_mem>>)
        } else {
        }
        %dma_wait3A_155 = arith.constant 0 : i32
        %dma_wait3A_156 = arith.constant 0 : i32
        %dma_wait3A_157 = tpu.memref_slice %arg5[%add3A_142, %dma_wait3A_155, %dma_wait3A_156] : memref<52x1x64xi32, #tpu.memory_space<vmem>> -> memref<1x1x64xi32, #tpu.memory_space<vmem>>
        %dma_wait3A_158 = tpu.memref_squeeze %dma_wait3A_157 : memref<1x1x64xi32, #tpu.memory_space<vmem>> -> memref<64xi32, #tpu.memory_space<vmem>>
        %dma_wait3A_159 = arith.constant 0 : i32
        %dma_wait3A_160 = arith.constant 0 : i32
        %dma_wait3A_161 = tpu.memref_slice %arg2[%dma_wait3A_159, %dma_wait3A_160] : memref<10240x128xf32, #tpu.memory_space<hbm>> -> memref<10240x128xf32, #tpu.memory_space<hbm>>
        tpu.wait_indirect_dma semaphore(%arg14 : memref<!tpu.dma_semaphore, #tpu.memory_space<semaphore_mem>>) src(%dma_wait3A_161 : memref<10240x128xf32, #tpu.memory_space<hbm>>) dst(%arg9 : memref<64x128xf32, #tpu.memory_space<vmem>>)
        %dma_start3A_162 = arith.constant 0 : i32
        %dma_start3A_163 = arith.constant 0 : i32
        %dma_start3A_164 = tpu.memref_slice %arg6[%add3A_142, %dma_start3A_162, %dma_start3A_163] : memref<52x1x64xi32, #tpu.memory_space<vmem>> -> memref<1x1x64xi32, #tpu.memory_space<vmem>>
        %dma_start3A_165 = tpu.memref_squeeze %dma_start3A_164 : memref<1x1x64xi32, #tpu.memory_space<vmem>> -> memref<64xi32, #tpu.memory_space<vmem>>
        %dma_start3A_166 = arith.constant 0 : i32
        %dma_start3A_167 = arith.constant 0 : i32
        %dma_start3A_168 = tpu.memref_slice %arg11[%dma_start3A_166, %dma_start3A_167] : memref<10240x128xf32, #tpu.memory_space<vmem_shared>> -> memref<10240x128xf32, #tpu.memory_space<vmem_shared>>
        tpu.enqueue_indirect_dma source(%arg9 : memref<64x128xf32, #tpu.memory_space<vmem>>) target(%dma_start3A_168 : memref<10240x128xf32, #tpu.memory_space<vmem_shared>>) offsets(%dma_start3A_165 : memref<64xi32, #tpu.memory_space<vmem>>) semaphore(%arg18 : memref<!tpu.dma_semaphore, #tpu.memory_space<semaphore_mem>>) {add = true}
        %add3A_169 = arith.constant 3 : i32
        %add3A_170 = arith.addi %mul3A_85, %add3A_169 : i32
        %ge3A_171 = arith.constant 2 : i32
        %ge3A_172 = arith.cmpi sge, %add3A_170, %ge3A_171 : i32
        %convert_element_type3A_173 = arith.extui %ge3A_172 : i1 to i32
        %cond3A_174 = arith.constant 0 : i32
        %cond3A_175 = arith.cmpi ne, %convert_element_type3A_173, %cond3A_174 : i32
        scf.if %cond3A_175 {
          %dma_wait3A_197 = arith.constant 0 : i32
          %dma_wait3A_198 = arith.constant 0 : i32
          %dma_wait3A_199 = arith.constant 0 : i32
          %dma_wait3A_200 = tpu.memref_slice %arg6[%dma_wait3A_197, %dma_wait3A_198, %dma_wait3A_199] : memref<52x1x64xi32, #tpu.memory_space<vmem>> -> memref<1x1x64xi32, #tpu.memory_space<vmem>>
          %dma_wait3A_201 = tpu.memref_squeeze %dma_wait3A_200 : memref<1x1x64xi32, #tpu.memory_space<vmem>> -> memref<64xi32, #tpu.memory_space<vmem>>
          %dma_wait3A_202 = arith.constant 0 : i32
          %dma_wait3A_203 = arith.constant 0 : i32
          %dma_wait3A_204 = tpu.memref_slice %arg11[%dma_wait3A_202, %dma_wait3A_203] : memref<10240x128xf32, #tpu.memory_space<vmem_shared>> -> memref<10240x128xf32, #tpu.memory_space<vmem_shared>>
          tpu.wait_indirect_dma semaphore(%arg17 : memref<!tpu.dma_semaphore, #tpu.memory_space<semaphore_mem>>) src(%arg8 : memref<64x128xf32, #tpu.memory_space<vmem>>) dst(%dma_wait3A_204 : memref<10240x128xf32, #tpu.memory_space<vmem_shared>>)
        } else {
        }
        %add3A_176 = arith.constant 2 : i32
        %add3A_177 = arith.addi %add3A_170, %add3A_176 : i32
        %lt3A_178 = arith.constant 52 : i32
        %lt3A_179 = arith.cmpi slt, %add3A_177, %lt3A_178 : i32
        %convert_element_type3A_180 = arith.extui %lt3A_179 : i1 to i32
        %cond3A_181 = arith.constant 0 : i32
        %cond3A_182 = arith.cmpi ne, %convert_element_type3A_180, %cond3A_181 : i32
        scf.if %cond3A_182 {
          %add3A_197 = arith.constant 2 : i32
          %add3A_198 = arith.addi %add3A_170, %add3A_197 : i32
          %dma_start3A_199 = arith.constant 0 : i32
          %dma_start3A_200 = arith.constant 0 : i32
          %dma_start3A_201 = tpu.memref_slice %arg5[%add3A_198, %dma_start3A_199, %dma_start3A_200] : memref<52x1x64xi32, #tpu.memory_space<vmem>> -> memref<1x1x64xi32, #tpu.memory_space<vmem>>
          %dma_start3A_202 = tpu.memref_squeeze %dma_start3A_201 : memref<1x1x64xi32, #tpu.memory_space<vmem>> -> memref<64xi32, #tpu.memory_space<vmem>>
          %dma_start3A_203 = arith.constant 0 : i32
          %dma_start3A_204 = arith.constant 0 : i32
          %dma_start3A_205 = tpu.memref_slice %arg2[%dma_start3A_203, %dma_start3A_204] : memref<10240x128xf32, #tpu.memory_space<hbm>> -> memref<10240x128xf32, #tpu.memory_space<hbm>>
          tpu.enqueue_indirect_dma source(%dma_start3A_205 : memref<10240x128xf32, #tpu.memory_space<hbm>>) target(%arg8 : memref<64x128xf32, #tpu.memory_space<vmem>>) offsets(%dma_start3A_202 : memref<64xi32, #tpu.memory_space<vmem>>) semaphore(%arg13 : memref<!tpu.dma_semaphore, #tpu.memory_space<semaphore_mem>>)
        } else {
        }
        %dma_wait3A_183 = arith.constant 0 : i32
        %dma_wait3A_184 = arith.constant 0 : i32
        %dma_wait3A_185 = tpu.memref_slice %arg5[%add3A_170, %dma_wait3A_183, %dma_wait3A_184] : memref<52x1x64xi32, #tpu.memory_space<vmem>> -> memref<1x1x64xi32, #tpu.memory_space<vmem>>
        %dma_wait3A_186 = tpu.memref_squeeze %dma_wait3A_185 : memref<1x1x64xi32, #tpu.memory_space<vmem>> -> memref<64xi32, #tpu.memory_space<vmem>>
        %dma_wait3A_187 = arith.constant 0 : i32
        %dma_wait3A_188 = arith.constant 0 : i32
        %dma_wait3A_189 = tpu.memref_slice %arg2[%dma_wait3A_187, %dma_wait3A_188] : memref<10240x128xf32, #tpu.memory_space<hbm>> -> memref<10240x128xf32, #tpu.memory_space<hbm>>
        tpu.wait_indirect_dma semaphore(%arg15 : memref<!tpu.dma_semaphore, #tpu.memory_space<semaphore_mem>>) src(%dma_wait3A_189 : memref<10240x128xf32, #tpu.memory_space<hbm>>) dst(%arg10 : memref<64x128xf32, #tpu.memory_space<vmem>>)
        %dma_start3A_190 = arith.constant 0 : i32
        %dma_start3A_191 = arith.constant 0 : i32
        %dma_start3A_192 = tpu.memref_slice %arg6[%add3A_170, %dma_start3A_190, %dma_start3A_191] : memref<52x1x64xi32, #tpu.memory_space<vmem>> -> memref<1x1x64xi32, #tpu.memory_space<vmem>>
        %dma_start3A_193 = tpu.memref_squeeze %dma_start3A_192 : memref<1x1x64xi32, #tpu.memory_space<vmem>> -> memref<64xi32, #tpu.memory_space<vmem>>
        %dma_start3A_194 = arith.constant 0 : i32
        %dma_start3A_195 = arith.constant 0 : i32
        %dma_start3A_196 = tpu.memref_slice %arg11[%dma_start3A_194, %dma_start3A_195] : memref<10240x128xf32, #tpu.memory_space<vmem_shared>> -> memref<10240x128xf32, #tpu.memory_space<vmem_shared>>
        tpu.enqueue_indirect_dma source(%arg10 : memref<64x128xf32, #tpu.memory_space<vmem>>) target(%dma_start3A_196 : memref<10240x128xf32, #tpu.memory_space<vmem_shared>>) offsets(%dma_start3A_193 : memref<64xi32, #tpu.memory_space<vmem>>) semaphore(%arg19 : memref<!tpu.dma_semaphore, #tpu.memory_space<semaphore_mem>>) {add = true}
      }
      %scan3A_67 = arith.constant 13 : i32
      %dma_wait3A = arith.constant 0 : i32
      %dma_wait3A_68 = arith.constant 0 : i32
      %dma_wait3A_69 = arith.constant 0 : i32
      %dma_wait3A_70 = tpu.memref_slice %arg6[%dma_wait3A, %dma_wait3A_68, %dma_wait3A_69] : memref<52x1x64xi32, #tpu.memory_space<vmem>> -> memref<1x1x64xi32, #tpu.memory_space<vmem>>
      %dma_wait3A_71 = tpu.memref_squeeze %dma_wait3A_70 : memref<1x1x64xi32, #tpu.memory_space<vmem>> -> memref<64xi32, #tpu.memory_space<vmem>>
      %dma_wait3A_72 = arith.constant 0 : i32
      %dma_wait3A_73 = arith.constant 0 : i32
      %dma_wait3A_74 = tpu.memref_slice %arg11[%dma_wait3A_72, %dma_wait3A_73] : memref<10240x128xf32, #tpu.memory_space<vmem_shared>> -> memref<10240x128xf32, #tpu.memory_space<vmem_shared>>
      tpu.wait_indirect_dma semaphore(%arg18 : memref<!tpu.dma_semaphore, #tpu.memory_space<semaphore_mem>>) src(%arg9 : memref<64x128xf32, #tpu.memory_space<vmem>>) dst(%dma_wait3A_74 : memref<10240x128xf32, #tpu.memory_space<vmem_shared>>)
      %dma_wait3A_75 = arith.constant 0 : i32
      %dma_wait3A_76 = arith.constant 0 : i32
      %dma_wait3A_77 = arith.constant 0 : i32
      %dma_wait3A_78 = tpu.memref_slice %arg6[%dma_wait3A_75, %dma_wait3A_76, %dma_wait3A_77] : memref<52x1x64xi32, #tpu.memory_space<vmem>> -> memref<1x1x64xi32, #tpu.memory_space<vmem>>
      %dma_wait3A_79 = tpu.memref_squeeze %dma_wait3A_78 : memref<1x1x64xi32, #tpu.memory_space<vmem>> -> memref<64xi32, #tpu.memory_space<vmem>>
      %dma_wait3A_80 = arith.constant 0 : i32
      %dma_wait3A_81 = arith.constant 0 : i32
      %dma_wait3A_82 = tpu.memref_slice %arg11[%dma_wait3A_80, %dma_wait3A_81] : memref<10240x128xf32, #tpu.memory_space<vmem_shared>> -> memref<10240x128xf32, #tpu.memory_space<vmem_shared>>
      tpu.wait_indirect_dma semaphore(%arg19 : memref<!tpu.dma_semaphore, #tpu.memory_space<semaphore_mem>>) src(%arg10 : memref<64x128xf32, #tpu.memory_space<vmem>>) dst(%dma_wait3A_82 : memref<10240x128xf32, #tpu.memory_space<vmem_shared>>)
    }
    %scan3A_36 = arith.constant 3 : i32
    %ge3A = arith.constant 24 : i32
    %ge3A_37 = arith.cmpi sge, %add3A_28, %ge3A : i32
    %convert_element_type3A = arith.extui %ge3A_37 : i1 to i32
    %cond3A = arith.constant 0 : i32
    %cond3A_38 = arith.cmpi ne, %convert_element_type3A, %cond3A : i32
    scf.if %cond3A_38 {
      %sub3A = arith.constant 24 : i32
      %sub3A_40 = arith.subi %add3A_28, %sub3A : i32
      %add3A_41 = arith.constant 4992 : i32
      %add3A_42 = arith.addi %add3A_41, %sub3A_40 : i32
      %run_scoped3A = arith.constant 0 : i32
      "tpu.region"() ({
        %run_scoped3A_60 = tpu.sem_alloc : memref<!tpu.dma_semaphore, #tpu.memory_space<semaphore_mem>>
        %dma_start3A_61 = arith.constant 0 : i32
        %dma_start3A_62 = arith.constant 0 : i32
        %dma_start3A_63 = arith.constant 0 : i32
        %dma_start3A_64 = tpu.memref_slice %arg5[%dma_start3A_61, %dma_start3A_62, %dma_start3A_63] : memref<52x1x64xi32, #tpu.memory_space<vmem>> -> memref<1x1x64xi32, #tpu.memory_space<vmem>>
        %dma_start3A_65 = arith.constant 0 : i32
        %dma_start3A_66 = arith.constant 0 : i32
        %dma_start3A_67 = tpu.memref_slice %arg3[%run_scoped3A, %add3A_42, %dma_start3A_65, %dma_start3A_66] : memref<2x5000x1x64xi32, #tpu.memory_space<hbm>> -> memref<1x1x1x64xi32, #tpu.memory_space<hbm>>
        %dma_start3A_68 = tpu.memref_squeeze %dma_start3A_67 : memref<1x1x1x64xi32, #tpu.memory_space<hbm>> -> memref<1x1x64xi32, #tpu.memory_space<hbm>>
        %dma_start3A_69 = arith.constant 0 : i32
        %dma_start3A_70 = arith.constant 0 : i32
        %dma_start3A_71 = arith.constant 0 : i32
        %dma_start3A_72 = tpu.memref_slice %arg5[%dma_start3A_69, %dma_start3A_70, %dma_start3A_71] : memref<52x1x64xi32, #tpu.memory_space<vmem>> -> memref<1x1x64xi32, #tpu.memory_space<vmem>>
        %dma_start3A_73 = arith.constant 0 : i32
        %dma_start3A_74 = arith.constant 0 : i32
        %dma_start3A_75 = tpu.memref_slice %arg3[%run_scoped3A, %add3A_42, %dma_start3A_73, %dma_start3A_74] : memref<2x5000x1x64xi32, #tpu.memory_space<hbm>> -> memref<1x1x1x64xi32, #tpu.memory_space<hbm>>
        %dma_start3A_76 = tpu.memref_squeeze %dma_start3A_75 : memref<1x1x1x64xi32, #tpu.memory_space<hbm>> -> memref<1x1x64xi32, #tpu.memory_space<hbm>>
        tpu.enqueue_dma source(%dma_start3A_76 : memref<1x1x64xi32, #tpu.memory_space<hbm>>) target(%dma_start3A_72 : memref<1x1x64xi32, #tpu.memory_space<vmem>>) target_semaphore(%run_scoped3A_60 : memref<!tpu.dma_semaphore, #tpu.memory_space<semaphore_mem>>)
        %dma_wait3A_77 = arith.constant 0 : i32
        %dma_wait3A_78 = arith.constant 0 : i32
        %dma_wait3A_79 = arith.constant 0 : i32
        %dma_wait3A_80 = tpu.memref_slice %arg5[%dma_wait3A_77, %dma_wait3A_78, %dma_wait3A_79] : memref<52x1x64xi32, #tpu.memory_space<vmem>> -> memref<1x1x64xi32, #tpu.memory_space<vmem>>
        %dma_wait3A_81 = arith.constant 0 : i32
        %dma_wait3A_82 = arith.constant 0 : i32
        %dma_wait3A_83 = tpu.memref_slice %arg3[%run_scoped3A, %add3A_42, %dma_wait3A_81, %dma_wait3A_82] : memref<2x5000x1x64xi32, #tpu.memory_space<hbm>> -> memref<1x1x1x64xi32, #tpu.memory_space<hbm>>
        %dma_wait3A_84 = tpu.memref_squeeze %dma_wait3A_83 : memref<1x1x1x64xi32, #tpu.memory_space<hbm>> -> memref<1x1x64xi32, #tpu.memory_space<hbm>>
        %dma_wait3A_85 = arith.constant 0 : i32
        %dma_wait3A_86 = arith.constant 0 : i32
        %dma_wait3A_87 = arith.constant 0 : i32
        %dma_wait3A_88 = tpu.memref_slice %arg5[%dma_wait3A_85, %dma_wait3A_86, %dma_wait3A_87] : memref<52x1x64xi32, #tpu.memory_space<vmem>> -> memref<1x1x64xi32, #tpu.memory_space<vmem>>
        %dma_wait3A_89 = arith.constant 0 : i32
        %dma_wait3A_90 = arith.constant 0 : i32
        %dma_wait3A_91 = tpu.memref_slice %arg3[%run_scoped3A, %add3A_42, %dma_wait3A_89, %dma_wait3A_90] : memref<2x5000x1x64xi32, #tpu.memory_space<hbm>> -> memref<1x1x1x64xi32, #tpu.memory_space<hbm>>
        %dma_wait3A_92 = tpu.memref_squeeze %dma_wait3A_91 : memref<1x1x1x64xi32, #tpu.memory_space<hbm>> -> memref<1x1x64xi32, #tpu.memory_space<hbm>>
        tpu.wait_dma2 semaphore(%run_scoped3A_60 : memref<!tpu.dma_semaphore, #tpu.memory_space<semaphore_mem>>) src(%dma_wait3A_92 : memref<1x1x64xi32, #tpu.memory_space<hbm>>) dst(%dma_wait3A_88 : memref<1x1x64xi32, #tpu.memory_space<vmem>>)
        tpu.yield
      }) : () -> ()
      %run_scoped3A_43 = arith.constant 1 : i32
      "tpu.region"() ({
        %run_scoped3A_60 = tpu.sem_alloc : memref<!tpu.dma_semaphore, #tpu.memory_space<semaphore_mem>>
        %dma_start3A_61 = arith.constant 0 : i32
        %dma_start3A_62 = arith.constant 0 : i32
        %dma_start3A_63 = arith.constant 0 : i32
        %dma_start3A_64 = tpu.memref_slice %arg6[%dma_start3A_61, %dma_start3A_62, %dma_start3A_63] : memref<52x1x64xi32, #tpu.memory_space<vmem>> -> memref<1x1x64xi32, #tpu.memory_space<vmem>>
        %dma_start3A_65 = arith.constant 0 : i32
        %dma_start3A_66 = arith.constant 0 : i32
        %dma_start3A_67 = tpu.memref_slice %arg3[%run_scoped3A_43, %add3A_42, %dma_start3A_65, %dma_start3A_66] : memref<2x5000x1x64xi32, #tpu.memory_space<hbm>> -> memref<1x1x1x64xi32, #tpu.memory_space<hbm>>
        %dma_start3A_68 = tpu.memref_squeeze %dma_start3A_67 : memref<1x1x1x64xi32, #tpu.memory_space<hbm>> -> memref<1x1x64xi32, #tpu.memory_space<hbm>>
        %dma_start3A_69 = arith.constant 0 : i32
        %dma_start3A_70 = arith.constant 0 : i32
        %dma_start3A_71 = arith.constant 0 : i32
        %dma_start3A_72 = tpu.memref_slice %arg6[%dma_start3A_69, %dma_start3A_70, %dma_start3A_71] : memref<52x1x64xi32, #tpu.memory_space<vmem>> -> memref<1x1x64xi32, #tpu.memory_space<vmem>>
        %dma_start3A_73 = arith.constant 0 : i32
        %dma_start3A_74 = arith.constant 0 : i32
        %dma_start3A_75 = tpu.memref_slice %arg3[%run_scoped3A_43, %add3A_42, %dma_start3A_73, %dma_start3A_74] : memref<2x5000x1x64xi32, #tpu.memory_space<hbm>> -> memref<1x1x1x64xi32, #tpu.memory_space<hbm>>
        %dma_start3A_76 = tpu.memref_squeeze %dma_start3A_75 : memref<1x1x1x64xi32, #tpu.memory_space<hbm>> -> memref<1x1x64xi32, #tpu.memory_space<hbm>>
        tpu.enqueue_dma source(%dma_start3A_76 : memref<1x1x64xi32, #tpu.memory_space<hbm>>) target(%dma_start3A_72 : memref<1x1x64xi32, #tpu.memory_space<vmem>>) target_semaphore(%run_scoped3A_60 : memref<!tpu.dma_semaphore, #tpu.memory_space<semaphore_mem>>)
        %dma_wait3A_77 = arith.constant 0 : i32
        %dma_wait3A_78 = arith.constant 0 : i32
        %dma_wait3A_79 = arith.constant 0 : i32
        %dma_wait3A_80 = tpu.memref_slice %arg6[%dma_wait3A_77, %dma_wait3A_78, %dma_wait3A_79] : memref<52x1x64xi32, #tpu.memory_space<vmem>> -> memref<1x1x64xi32, #tpu.memory_space<vmem>>
        %dma_wait3A_81 = arith.constant 0 : i32
        %dma_wait3A_82 = arith.constant 0 : i32
        %dma_wait3A_83 = tpu.memref_slice %arg3[%run_scoped3A_43, %add3A_42, %dma_wait3A_81, %dma_wait3A_82] : memref<2x5000x1x64xi32, #tpu.memory_space<hbm>> -> memref<1x1x1x64xi32, #tpu.memory_space<hbm>>
        %dma_wait3A_84 = tpu.memref_squeeze %dma_wait3A_83 : memref<1x1x1x64xi32, #tpu.memory_space<hbm>> -> memref<1x1x64xi32, #tpu.memory_space<hbm>>
        %dma_wait3A_85 = arith.constant 0 : i32
        %dma_wait3A_86 = arith.constant 0 : i32
        %dma_wait3A_87 = arith.constant 0 : i32
        %dma_wait3A_88 = tpu.memref_slice %arg6[%dma_wait3A_85, %dma_wait3A_86, %dma_wait3A_87] : memref<52x1x64xi32, #tpu.memory_space<vmem>> -> memref<1x1x64xi32, #tpu.memory_space<vmem>>
        %dma_wait3A_89 = arith.constant 0 : i32
        %dma_wait3A_90 = arith.constant 0 : i32
        %dma_wait3A_91 = tpu.memref_slice %arg3[%run_scoped3A_43, %add3A_42, %dma_wait3A_89, %dma_wait3A_90] : memref<2x5000x1x64xi32, #tpu.memory_space<hbm>> -> memref<1x1x1x64xi32, #tpu.memory_space<hbm>>
        %dma_wait3A_92 = tpu.memref_squeeze %dma_wait3A_91 : memref<1x1x1x64xi32, #tpu.memory_space<hbm>> -> memref<1x1x64xi32, #tpu.memory_space<hbm>>
        tpu.wait_dma2 semaphore(%run_scoped3A_60 : memref<!tpu.dma_semaphore, #tpu.memory_space<semaphore_mem>>) src(%dma_wait3A_92 : memref<1x1x64xi32, #tpu.memory_space<hbm>>) dst(%dma_wait3A_88 : memref<1x1x64xi32, #tpu.memory_space<vmem>>)
        tpu.yield
      }) : () -> ()
      %dma_start3A = arith.constant 0 : i32
      %dma_start3A_44 = arith.constant 0 : i32
      %dma_start3A_45 = arith.constant 0 : i32
      %dma_start3A_46 = tpu.memref_slice %arg5[%dma_start3A, %dma_start3A_44, %dma_start3A_45] : memref<52x1x64xi32, #tpu.memory_space<vmem>> -> memref<1x1x64xi32, #tpu.memory_space<vmem>>
      %dma_start3A_47 = tpu.memref_squeeze %dma_start3A_46 : memref<1x1x64xi32, #tpu.memory_space<vmem>> -> memref<64xi32, #tpu.memory_space<vmem>>
      %dma_start3A_48 = arith.constant 0 : i32
      %dma_start3A_49 = arith.constant 0 : i32
      %dma_start3A_50 = tpu.memref_slice %arg2[%dma_start3A_48, %dma_start3A_49] : memref<10240x128xf32, #tpu.memory_space<hbm>> -> memref<10240x128xf32, #tpu.memory_space<hbm>>
      tpu.enqueue_indirect_dma source(%dma_start3A_50 : memref<10240x128xf32, #tpu.memory_space<hbm>>) target(%arg7 : memref<64x128xf32, #tpu.memory_space<vmem>>) offsets(%dma_start3A_47 : memref<64xi32, #tpu.memory_space<vmem>>) semaphore(%arg12 : memref<!tpu.dma_semaphore, #tpu.memory_space<semaphore_mem>>)
      %dma_wait3A = arith.constant 0 : i32
      %dma_wait3A_51 = arith.constant 0 : i32
      %dma_wait3A_52 = arith.constant 0 : i32
      %dma_wait3A_53 = tpu.memref_slice %arg5[%dma_wait3A, %dma_wait3A_51, %dma_wait3A_52] : memref<52x1x64xi32, #tpu.memory_space<vmem>> -> memref<1x1x64xi32, #tpu.memory_space<vmem>>
      %dma_wait3A_54 = tpu.memref_squeeze %dma_wait3A_53 : memref<1x1x64xi32, #tpu.memory_space<vmem>> -> memref<64xi32, #tpu.memory_space<vmem>>
      %dma_wait3A_55 = arith.constant 0 : i32
      %dma_wait3A_56 = arith.constant 0 : i32
      %dma_wait3A_57 = tpu.memref_slice %arg2[%dma_wait3A_55, %dma_wait3A_56] : memref<10240x128xf32, #tpu.memory_space<hbm>> -> memref<10240x128xf32, #tpu.memory_space<hbm>>
      tpu.wait_indirect_dma semaphore(%arg12 : memref<!tpu.dma_semaphore, #tpu.memory_space<semaphore_mem>>) src(%dma_wait3A_57 : memref<10240x128xf32, #tpu.memory_space<hbm>>) dst(%arg7 : memref<64x128xf32, #tpu.memory_space<vmem>>)
      %run_scoped3A_58 = arith.constant 0 : i32
      %run_scoped3A_59 = arith.constant 0 : i32
      "tpu.region"() ({
        %run_scoped3A_60 = tpu.sem_alloc : memref<!tpu.dma_semaphore, #tpu.memory_space<semaphore_mem>>
        %dma_start3A_61 = arith.constant 0 : i32
        %dma_start3A_62 = tpu.memref_slice %arg6[%run_scoped3A_58, %run_scoped3A_59, %dma_start3A_61] : memref<52x1x64xi32, #tpu.memory_space<vmem>> -> memref<1x1x64xi32, #tpu.memory_space<vmem>>
        %dma_start3A_63 = tpu.memref_squeeze %dma_start3A_62 : memref<1x1x64xi32, #tpu.memory_space<vmem>> -> memref<64xi32, #tpu.memory_space<vmem>>
        %dma_start3A_64 = arith.constant 0 : i32
        %dma_start3A_65 = arith.constant 0 : i32
        %dma_start3A_66 = tpu.memref_slice %arg11[%dma_start3A_64, %dma_start3A_65] : memref<10240x128xf32, #tpu.memory_space<vmem_shared>> -> memref<10240x128xf32, #tpu.memory_space<vmem_shared>>
        tpu.enqueue_indirect_dma source(%arg7 : memref<64x128xf32, #tpu.memory_space<vmem>>) target(%dma_start3A_66 : memref<10240x128xf32, #tpu.memory_space<vmem_shared>>) offsets(%dma_start3A_63 : memref<64xi32, #tpu.memory_space<vmem>>) semaphore(%run_scoped3A_60 : memref<!tpu.dma_semaphore, #tpu.memory_space<semaphore_mem>>) {add = true}
        %dma_wait3A_67 = arith.constant 0 : i32
        %dma_wait3A_68 = tpu.memref_slice %arg6[%run_scoped3A_58, %run_scoped3A_59, %dma_wait3A_67] : memref<52x1x64xi32, #tpu.memory_space<vmem>> -> memref<1x1x64xi32, #tpu.memory_space<vmem>>
        %dma_wait3A_69 = tpu.memref_squeeze %dma_wait3A_68 : memref<1x1x64xi32, #tpu.memory_space<vmem>> -> memref<64xi32, #tpu.memory_space<vmem>>
        %dma_wait3A_70 = arith.constant 0 : i32
        %dma_wait3A_71 = arith.constant 0 : i32
        %dma_wait3A_72 = tpu.memref_slice %arg11[%dma_wait3A_70, %dma_wait3A_71] : memref<10240x128xf32, #tpu.memory_space<vmem_shared>> -> memref<10240x128xf32, #tpu.memory_space<vmem_shared>>
        tpu.wait_indirect_dma semaphore(%run_scoped3A_60 : memref<!tpu.dma_semaphore, #tpu.memory_space<semaphore_mem>>) src(%arg7 : memref<64x128xf32, #tpu.memory_space<vmem>>) dst(%dma_wait3A_72 : memref<10240x128xf32, #tpu.memory_space<vmem_shared>>)
        tpu.yield
      }) : () -> ()
    } else {
    }
    %barrier3A_39 = arith.constant 0 : index
    tpu.barrier barrier_id(%barrier3A_39)
    "tpu.region"() ({
      %run_scoped3A = tpu.sem_alloc : memref<!tpu.dma_semaphore, #tpu.memory_space<semaphore_mem>>
      %dma_start3A = arith.constant 0 : i32
      %dma_start3A_40 = tpu.memref_slice %arg4[%arg0, %mul3A_0, %dma_start3A] : memref<2x10240x128xf32, #tpu.memory_space<hbm>> -> memref<1x640x128xf32, #tpu.memory_space<hbm>>
      %dma_start3A_41 = tpu.memref_squeeze %dma_start3A_40 : memref<1x640x128xf32, #tpu.memory_space<hbm>> -> memref<640x128xf32, #tpu.memory_space<hbm>>
      %dma_start3A_42 = arith.constant 0 : i32
      %dma_start3A_43 = tpu.memref_slice %arg11[%mul3A_0, %dma_start3A_42] : memref<10240x128xf32, #tpu.memory_space<vmem_shared>> -> memref<640x128xf32, #tpu.memory_space<vmem_shared>>
      tpu.enqueue_dma source(%dma_start3A_43 : memref<640x128xf32, #tpu.memory_space<vmem_shared>>) target(%dma_start3A_41 : memref<640x128xf32, #tpu.memory_space<hbm>>) target_semaphore(%run_scoped3A : memref<!tpu.dma_semaphore, #tpu.memory_space<semaphore_mem>>)
      %dma_wait3A = arith.constant 0 : i32
      %dma_wait3A_44 = tpu.memref_slice %arg4[%arg0, %mul3A_0, %dma_wait3A] : memref<2x10240x128xf32, #tpu.memory_space<hbm>> -> memref<1x640x128xf32, #tpu.memory_space<hbm>>
      %dma_wait3A_45 = tpu.memref_squeeze %dma_wait3A_44 : memref<1x640x128xf32, #tpu.memory_space<hbm>> -> memref<640x128xf32, #tpu.memory_space<hbm>>
      %dma_wait3A_46 = arith.constant 0 : i32
      %dma_wait3A_47 = tpu.memref_slice %arg11[%mul3A_0, %dma_wait3A_46] : memref<10240x128xf32, #tpu.memory_space<vmem_shared>> -> memref<640x128xf32, #tpu.memory_space<vmem_shared>>
      tpu.wait_dma2 semaphore(%run_scoped3A : memref<!tpu.dma_semaphore, #tpu.memory_space<semaphore_mem>>) src(%dma_wait3A_47 : memref<640x128xf32, #tpu.memory_space<vmem_shared>>) dst(%dma_wait3A_45 : memref<640x128xf32, #tpu.memory_space<hbm>>)
      tpu.yield
    }) : () -> ()
    return
  }
}

#map = affine_map<(d0, d1) -> (0, 0, 0, 0)>
#map1 = affine_map<(d0, d1) -> (0, 0, 0)>
module attributes {stable_mosaic.version = 14 : i64} {
  func.func @_sc_degrees(%arg0: i32, %arg1: i32, %arg2: memref<2x5000x1x64xi32, #tpu.memory_space<hbm>>, %arg3: memref<32x1x10240xf32, #tpu.memory_space<hbm>>, %arg4: memref<32x1x10240xf32, #tpu.memory_space<hbm>>, %arg5: memref<164x1x64xi32, #tpu.memory_space<vmem>>, %arg6: memref<164x1x64xi32, #tpu.memory_space<vmem>>, %arg7: memref<10240xf32, #tpu.memory_space<vmem>>, %arg8: memref<10240xf32, #tpu.memory_space<vmem>>) attributes {dimension_semantics = [#tpu.dimension_semantics<core_parallel>, #tpu.dimension_semantics<subcore_parallel>], iteration_bounds = array<i64: 2, 16>, scalar_prefetch = 0 : i64, scratch_operands = 4 : i64, tpu.core_type = #tpu.core_type<sc_vector_subcore>, window_params = [{transform_indices = #map}, {transform_indices = #map1}, {transform_indices = #map1}]} {
    %mul3A = arith.constant 2 : i32
    %mul3A_0 = arith.muli %arg1, %mul3A : i32
    %add3A = arith.addi %mul3A_0, %arg0 : i32
    %mul3A_1 = arith.constant 156 : i32
    %mul3A_2 = arith.muli %add3A, %mul3A_1 : i32
    %run_scoped3A = arith.constant 0 : i32
    "tpu.region"() ({
      %run_scoped3A_29 = tpu.sem_alloc : memref<!tpu.dma_semaphore, #tpu.memory_space<semaphore_mem>>
      %dma_start3A = arith.constant 0 : i32
      %dma_start3A_30 = arith.constant 0 : i32
      %dma_start3A_31 = arith.constant 0 : i32
      %dma_start3A_32 = tpu.memref_slice %arg5[%dma_start3A, %dma_start3A_30, %dma_start3A_31] : memref<164x1x64xi32, #tpu.memory_space<vmem>> -> memref<156x1x64xi32, #tpu.memory_space<vmem>>
      %dma_start3A_33 = arith.constant 0 : i32
      %dma_start3A_34 = arith.constant 0 : i32
      %dma_start3A_35 = tpu.memref_slice %arg2[%run_scoped3A, %mul3A_2, %dma_start3A_33, %dma_start3A_34] : memref<2x5000x1x64xi32, #tpu.memory_space<hbm>> -> memref<1x156x1x64xi32, #tpu.memory_space<hbm>>
      %dma_start3A_36 = tpu.memref_squeeze %dma_start3A_35 : memref<1x156x1x64xi32, #tpu.memory_space<hbm>> -> memref<156x1x64xi32, #tpu.memory_space<hbm>>
      %dma_start3A_37 = arith.constant 0 : i32
      %dma_start3A_38 = arith.constant 0 : i32
      %dma_start3A_39 = arith.constant 0 : i32
      %dma_start3A_40 = tpu.memref_slice %arg5[%dma_start3A_37, %dma_start3A_38, %dma_start3A_39] : memref<164x1x64xi32, #tpu.memory_space<vmem>> -> memref<156x1x64xi32, #tpu.memory_space<vmem>>
      %dma_start3A_41 = arith.constant 0 : i32
      %dma_start3A_42 = arith.constant 0 : i32
      %dma_start3A_43 = tpu.memref_slice %arg2[%run_scoped3A, %mul3A_2, %dma_start3A_41, %dma_start3A_42] : memref<2x5000x1x64xi32, #tpu.memory_space<hbm>> -> memref<1x156x1x64xi32, #tpu.memory_space<hbm>>
      %dma_start3A_44 = tpu.memref_squeeze %dma_start3A_43 : memref<1x156x1x64xi32, #tpu.memory_space<hbm>> -> memref<156x1x64xi32, #tpu.memory_space<hbm>>
      tpu.enqueue_dma source(%dma_start3A_44 : memref<156x1x64xi32, #tpu.memory_space<hbm>>) target(%dma_start3A_40 : memref<156x1x64xi32, #tpu.memory_space<vmem>>) target_semaphore(%run_scoped3A_29 : memref<!tpu.dma_semaphore, #tpu.memory_space<semaphore_mem>>)
      %dma_wait3A = arith.constant 0 : i32
      %dma_wait3A_45 = arith.constant 0 : i32
      %dma_wait3A_46 = arith.constant 0 : i32
      %dma_wait3A_47 = tpu.memref_slice %arg5[%dma_wait3A, %dma_wait3A_45, %dma_wait3A_46] : memref<164x1x64xi32, #tpu.memory_space<vmem>> -> memref<156x1x64xi32, #tpu.memory_space<vmem>>
      %dma_wait3A_48 = arith.constant 0 : i32
      %dma_wait3A_49 = arith.constant 0 : i32
      %dma_wait3A_50 = tpu.memref_slice %arg2[%run_scoped3A, %mul3A_2, %dma_wait3A_48, %dma_wait3A_49] : memref<2x5000x1x64xi32, #tpu.memory_space<hbm>> -> memref<1x156x1x64xi32, #tpu.memory_space<hbm>>
      %dma_wait3A_51 = tpu.memref_squeeze %dma_wait3A_50 : memref<1x156x1x64xi32, #tpu.memory_space<hbm>> -> memref<156x1x64xi32, #tpu.memory_space<hbm>>
      %dma_wait3A_52 = arith.constant 0 : i32
      %dma_wait3A_53 = arith.constant 0 : i32
      %dma_wait3A_54 = arith.constant 0 : i32
      %dma_wait3A_55 = tpu.memref_slice %arg5[%dma_wait3A_52, %dma_wait3A_53, %dma_wait3A_54] : memref<164x1x64xi32, #tpu.memory_space<vmem>> -> memref<156x1x64xi32, #tpu.memory_space<vmem>>
      %dma_wait3A_56 = arith.constant 0 : i32
      %dma_wait3A_57 = arith.constant 0 : i32
      %dma_wait3A_58 = tpu.memref_slice %arg2[%run_scoped3A, %mul3A_2, %dma_wait3A_56, %dma_wait3A_57] : memref<2x5000x1x64xi32, #tpu.memory_space<hbm>> -> memref<1x156x1x64xi32, #tpu.memory_space<hbm>>
      %dma_wait3A_59 = tpu.memref_squeeze %dma_wait3A_58 : memref<1x156x1x64xi32, #tpu.memory_space<hbm>> -> memref<156x1x64xi32, #tpu.memory_space<hbm>>
      tpu.wait_dma2 semaphore(%run_scoped3A_29 : memref<!tpu.dma_semaphore, #tpu.memory_space<semaphore_mem>>) src(%dma_wait3A_59 : memref<156x1x64xi32, #tpu.memory_space<hbm>>) dst(%dma_wait3A_55 : memref<156x1x64xi32, #tpu.memory_space<vmem>>)
      tpu.yield
    }) : () -> ()
    %run_scoped3A_3 = arith.constant 1 : i32
    "tpu.region"() ({
      %run_scoped3A_29 = tpu.sem_alloc : memref<!tpu.dma_semaphore, #tpu.memory_space<semaphore_mem>>
      %dma_start3A = arith.constant 0 : i32
      %dma_start3A_30 = arith.constant 0 : i32
      %dma_start3A_31 = arith.constant 0 : i32
      %dma_start3A_32 = tpu.memref_slice %arg6[%dma_start3A, %dma_start3A_30, %dma_start3A_31] : memref<164x1x64xi32, #tpu.memory_space<vmem>> -> memref<156x1x64xi32, #tpu.memory_space<vmem>>
      %dma_start3A_33 = arith.constant 0 : i32
      %dma_start3A_34 = arith.constant 0 : i32
      %dma_start3A_35 = tpu.memref_slice %arg2[%run_scoped3A_3, %mul3A_2, %dma_start3A_33, %dma_start3A_34] : memref<2x5000x1x64xi32, #tpu.memory_space<hbm>> -> memref<1x156x1x64xi32, #tpu.memory_space<hbm>>
      %dma_start3A_36 = tpu.memref_squeeze %dma_start3A_35 : memref<1x156x1x64xi32, #tpu.memory_space<hbm>> -> memref<156x1x64xi32, #tpu.memory_space<hbm>>
      %dma_start3A_37 = arith.constant 0 : i32
      %dma_start3A_38 = arith.constant 0 : i32
      %dma_start3A_39 = arith.constant 0 : i32
      %dma_start3A_40 = tpu.memref_slice %arg6[%dma_start3A_37, %dma_start3A_38, %dma_start3A_39] : memref<164x1x64xi32, #tpu.memory_space<vmem>> -> memref<156x1x64xi32, #tpu.memory_space<vmem>>
      %dma_start3A_41 = arith.constant 0 : i32
      %dma_start3A_42 = arith.constant 0 : i32
      %dma_start3A_43 = tpu.memref_slice %arg2[%run_scoped3A_3, %mul3A_2, %dma_start3A_41, %dma_start3A_42] : memref<2x5000x1x64xi32, #tpu.memory_space<hbm>> -> memref<1x156x1x64xi32, #tpu.memory_space<hbm>>
      %dma_start3A_44 = tpu.memref_squeeze %dma_start3A_43 : memref<1x156x1x64xi32, #tpu.memory_space<hbm>> -> memref<156x1x64xi32, #tpu.memory_space<hbm>>
      tpu.enqueue_dma source(%dma_start3A_44 : memref<156x1x64xi32, #tpu.memory_space<hbm>>) target(%dma_start3A_40 : memref<156x1x64xi32, #tpu.memory_space<vmem>>) target_semaphore(%run_scoped3A_29 : memref<!tpu.dma_semaphore, #tpu.memory_space<semaphore_mem>>)
      %dma_wait3A = arith.constant 0 : i32
      %dma_wait3A_45 = arith.constant 0 : i32
      %dma_wait3A_46 = arith.constant 0 : i32
      %dma_wait3A_47 = tpu.memref_slice %arg6[%dma_wait3A, %dma_wait3A_45, %dma_wait3A_46] : memref<164x1x64xi32, #tpu.memory_space<vmem>> -> memref<156x1x64xi32, #tpu.memory_space<vmem>>
      %dma_wait3A_48 = arith.constant 0 : i32
      %dma_wait3A_49 = arith.constant 0 : i32
      %dma_wait3A_50 = tpu.memref_slice %arg2[%run_scoped3A_3, %mul3A_2, %dma_wait3A_48, %dma_wait3A_49] : memref<2x5000x1x64xi32, #tpu.memory_space<hbm>> -> memref<1x156x1x64xi32, #tpu.memory_space<hbm>>
      %dma_wait3A_51 = tpu.memref_squeeze %dma_wait3A_50 : memref<1x156x1x64xi32, #tpu.memory_space<hbm>> -> memref<156x1x64xi32, #tpu.memory_space<hbm>>
      %dma_wait3A_52 = arith.constant 0 : i32
      %dma_wait3A_53 = arith.constant 0 : i32
      %dma_wait3A_54 = arith.constant 0 : i32
      %dma_wait3A_55 = tpu.memref_slice %arg6[%dma_wait3A_52, %dma_wait3A_53, %dma_wait3A_54] : memref<164x1x64xi32, #tpu.memory_space<vmem>> -> memref<156x1x64xi32, #tpu.memory_space<vmem>>
      %dma_wait3A_56 = arith.constant 0 : i32
      %dma_wait3A_57 = arith.constant 0 : i32
      %dma_wait3A_58 = tpu.memref_slice %arg2[%run_scoped3A_3, %mul3A_2, %dma_wait3A_56, %dma_wait3A_57] : memref<2x5000x1x64xi32, #tpu.memory_space<hbm>> -> memref<1x156x1x64xi32, #tpu.memory_space<hbm>>
      %dma_wait3A_59 = tpu.memref_squeeze %dma_wait3A_58 : memref<1x156x1x64xi32, #tpu.memory_space<hbm>> -> memref<156x1x64xi32, #tpu.memory_space<hbm>>
      tpu.wait_dma2 semaphore(%run_scoped3A_29 : memref<!tpu.dma_semaphore, #tpu.memory_space<semaphore_mem>>) src(%dma_wait3A_59 : memref<156x1x64xi32, #tpu.memory_space<hbm>>) dst(%dma_wait3A_55 : memref<156x1x64xi32, #tpu.memory_space<vmem>>)
      tpu.yield
    }) : () -> ()
    %ge3A = arith.constant 24 : i32
    %ge3A_4 = arith.cmpi sge, %add3A, %ge3A : i32
    %sub3A = arith.constant 24 : i32
    %sub3A_5 = arith.subi %add3A, %sub3A : i32
    %add3A_6 = arith.constant 4992 : i32
    %add3A_7 = arith.addi %add3A_6, %sub3A_5 : i32
    %convert_element_type3A = arith.extui %ge3A_4 : i1 to i32
    %cond3A = arith.constant 0 : i32
    %cond3A_8 = arith.cmpi ne, %convert_element_type3A, %cond3A : i32
    scf.if %cond3A_8 {
      %run_scoped3A_29 = arith.constant 0 : i32
      "tpu.region"() ({
        %run_scoped3A_31 = tpu.sem_alloc : memref<!tpu.dma_semaphore, #tpu.memory_space<semaphore_mem>>
        %dma_start3A = arith.constant 156 : i32
        %dma_start3A_32 = arith.constant 0 : i32
        %dma_start3A_33 = arith.constant 0 : i32
        %dma_start3A_34 = tpu.memref_slice %arg5[%dma_start3A, %dma_start3A_32, %dma_start3A_33] : memref<164x1x64xi32, #tpu.memory_space<vmem>> -> memref<1x1x64xi32, #tpu.memory_space<vmem>>
        %dma_start3A_35 = arith.constant 0 : i32
        %dma_start3A_36 = arith.constant 0 : i32
        %dma_start3A_37 = tpu.memref_slice %arg2[%run_scoped3A_29, %add3A_7, %dma_start3A_35, %dma_start3A_36] : memref<2x5000x1x64xi32, #tpu.memory_space<hbm>> -> memref<1x1x1x64xi32, #tpu.memory_space<hbm>>
        %dma_start3A_38 = tpu.memref_squeeze %dma_start3A_37 : memref<1x1x1x64xi32, #tpu.memory_space<hbm>> -> memref<1x1x64xi32, #tpu.memory_space<hbm>>
        %dma_start3A_39 = arith.constant 156 : i32
        %dma_start3A_40 = arith.constant 0 : i32
        %dma_start3A_41 = arith.constant 0 : i32
        %dma_start3A_42 = tpu.memref_slice %arg5[%dma_start3A_39, %dma_start3A_40, %dma_start3A_41] : memref<164x1x64xi32, #tpu.memory_space<vmem>> -> memref<1x1x64xi32, #tpu.memory_space<vmem>>
        %dma_start3A_43 = arith.constant 0 : i32
        %dma_start3A_44 = arith.constant 0 : i32
        %dma_start3A_45 = tpu.memref_slice %arg2[%run_scoped3A_29, %add3A_7, %dma_start3A_43, %dma_start3A_44] : memref<2x5000x1x64xi32, #tpu.memory_space<hbm>> -> memref<1x1x1x64xi32, #tpu.memory_space<hbm>>
        %dma_start3A_46 = tpu.memref_squeeze %dma_start3A_45 : memref<1x1x1x64xi32, #tpu.memory_space<hbm>> -> memref<1x1x64xi32, #tpu.memory_space<hbm>>
        tpu.enqueue_dma source(%dma_start3A_46 : memref<1x1x64xi32, #tpu.memory_space<hbm>>) target(%dma_start3A_42 : memref<1x1x64xi32, #tpu.memory_space<vmem>>) target_semaphore(%run_scoped3A_31 : memref<!tpu.dma_semaphore, #tpu.memory_space<semaphore_mem>>)
        %dma_wait3A = arith.constant 156 : i32
        %dma_wait3A_47 = arith.constant 0 : i32
        %dma_wait3A_48 = arith.constant 0 : i32
        %dma_wait3A_49 = tpu.memref_slice %arg5[%dma_wait3A, %dma_wait3A_47, %dma_wait3A_48] : memref<164x1x64xi32, #tpu.memory_space<vmem>> -> memref<1x1x64xi32, #tpu.memory_space<vmem>>
        %dma_wait3A_50 = arith.constant 0 : i32
        %dma_wait3A_51 = arith.constant 0 : i32
        %dma_wait3A_52 = tpu.memref_slice %arg2[%run_scoped3A_29, %add3A_7, %dma_wait3A_50, %dma_wait3A_51] : memref<2x5000x1x64xi32, #tpu.memory_space<hbm>> -> memref<1x1x1x64xi32, #tpu.memory_space<hbm>>
        %dma_wait3A_53 = tpu.memref_squeeze %dma_wait3A_52 : memref<1x1x1x64xi32, #tpu.memory_space<hbm>> -> memref<1x1x64xi32, #tpu.memory_space<hbm>>
        %dma_wait3A_54 = arith.constant 156 : i32
        %dma_wait3A_55 = arith.constant 0 : i32
        %dma_wait3A_56 = arith.constant 0 : i32
        %dma_wait3A_57 = tpu.memref_slice %arg5[%dma_wait3A_54, %dma_wait3A_55, %dma_wait3A_56] : memref<164x1x64xi32, #tpu.memory_space<vmem>> -> memref<1x1x64xi32, #tpu.memory_space<vmem>>
        %dma_wait3A_58 = arith.constant 0 : i32
        %dma_wait3A_59 = arith.constant 0 : i32
        %dma_wait3A_60 = tpu.memref_slice %arg2[%run_scoped3A_29, %add3A_7, %dma_wait3A_58, %dma_wait3A_59] : memref<2x5000x1x64xi32, #tpu.memory_space<hbm>> -> memref<1x1x1x64xi32, #tpu.memory_space<hbm>>
        %dma_wait3A_61 = tpu.memref_squeeze %dma_wait3A_60 : memref<1x1x1x64xi32, #tpu.memory_space<hbm>> -> memref<1x1x64xi32, #tpu.memory_space<hbm>>
        tpu.wait_dma2 semaphore(%run_scoped3A_31 : memref<!tpu.dma_semaphore, #tpu.memory_space<semaphore_mem>>) src(%dma_wait3A_61 : memref<1x1x64xi32, #tpu.memory_space<hbm>>) dst(%dma_wait3A_57 : memref<1x1x64xi32, #tpu.memory_space<vmem>>)
        tpu.yield
      }) : () -> ()
      %run_scoped3A_30 = arith.constant 1 : i32
      "tpu.region"() ({
        %run_scoped3A_31 = tpu.sem_alloc : memref<!tpu.dma_semaphore, #tpu.memory_space<semaphore_mem>>
        %dma_start3A = arith.constant 156 : i32
        %dma_start3A_32 = arith.constant 0 : i32
        %dma_start3A_33 = arith.constant 0 : i32
        %dma_start3A_34 = tpu.memref_slice %arg6[%dma_start3A, %dma_start3A_32, %dma_start3A_33] : memref<164x1x64xi32, #tpu.memory_space<vmem>> -> memref<1x1x64xi32, #tpu.memory_space<vmem>>
        %dma_start3A_35 = arith.constant 0 : i32
        %dma_start3A_36 = arith.constant 0 : i32
        %dma_start3A_37 = tpu.memref_slice %arg2[%run_scoped3A_30, %add3A_7, %dma_start3A_35, %dma_start3A_36] : memref<2x5000x1x64xi32, #tpu.memory_space<hbm>> -> memref<1x1x1x64xi32, #tpu.memory_space<hbm>>
        %dma_start3A_38 = tpu.memref_squeeze %dma_start3A_37 : memref<1x1x1x64xi32, #tpu.memory_space<hbm>> -> memref<1x1x64xi32, #tpu.memory_space<hbm>>
        %dma_start3A_39 = arith.constant 156 : i32
        %dma_start3A_40 = arith.constant 0 : i32
        %dma_start3A_41 = arith.constant 0 : i32
        %dma_start3A_42 = tpu.memref_slice %arg6[%dma_start3A_39, %dma_start3A_40, %dma_start3A_41] : memref<164x1x64xi32, #tpu.memory_space<vmem>> -> memref<1x1x64xi32, #tpu.memory_space<vmem>>
        %dma_start3A_43 = arith.constant 0 : i32
        %dma_start3A_44 = arith.constant 0 : i32
        %dma_start3A_45 = tpu.memref_slice %arg2[%run_scoped3A_30, %add3A_7, %dma_start3A_43, %dma_start3A_44] : memref<2x5000x1x64xi32, #tpu.memory_space<hbm>> -> memref<1x1x1x64xi32, #tpu.memory_space<hbm>>
        %dma_start3A_46 = tpu.memref_squeeze %dma_start3A_45 : memref<1x1x1x64xi32, #tpu.memory_space<hbm>> -> memref<1x1x64xi32, #tpu.memory_space<hbm>>
        tpu.enqueue_dma source(%dma_start3A_46 : memref<1x1x64xi32, #tpu.memory_space<hbm>>) target(%dma_start3A_42 : memref<1x1x64xi32, #tpu.memory_space<vmem>>) target_semaphore(%run_scoped3A_31 : memref<!tpu.dma_semaphore, #tpu.memory_space<semaphore_mem>>)
        %dma_wait3A = arith.constant 156 : i32
        %dma_wait3A_47 = arith.constant 0 : i32
        %dma_wait3A_48 = arith.constant 0 : i32
        %dma_wait3A_49 = tpu.memref_slice %arg6[%dma_wait3A, %dma_wait3A_47, %dma_wait3A_48] : memref<164x1x64xi32, #tpu.memory_space<vmem>> -> memref<1x1x64xi32, #tpu.memory_space<vmem>>
        %dma_wait3A_50 = arith.constant 0 : i32
        %dma_wait3A_51 = arith.constant 0 : i32
        %dma_wait3A_52 = tpu.memref_slice %arg2[%run_scoped3A_30, %add3A_7, %dma_wait3A_50, %dma_wait3A_51] : memref<2x5000x1x64xi32, #tpu.memory_space<hbm>> -> memref<1x1x1x64xi32, #tpu.memory_space<hbm>>
        %dma_wait3A_53 = tpu.memref_squeeze %dma_wait3A_52 : memref<1x1x1x64xi32, #tpu.memory_space<hbm>> -> memref<1x1x64xi32, #tpu.memory_space<hbm>>
        %dma_wait3A_54 = arith.constant 156 : i32
        %dma_wait3A_55 = arith.constant 0 : i32
        %dma_wait3A_56 = arith.constant 0 : i32
        %dma_wait3A_57 = tpu.memref_slice %arg6[%dma_wait3A_54, %dma_wait3A_55, %dma_wait3A_56] : memref<164x1x64xi32, #tpu.memory_space<vmem>> -> memref<1x1x64xi32, #tpu.memory_space<vmem>>
        %dma_wait3A_58 = arith.constant 0 : i32
        %dma_wait3A_59 = arith.constant 0 : i32
        %dma_wait3A_60 = tpu.memref_slice %arg2[%run_scoped3A_30, %add3A_7, %dma_wait3A_58, %dma_wait3A_59] : memref<2x5000x1x64xi32, #tpu.memory_space<hbm>> -> memref<1x1x1x64xi32, #tpu.memory_space<hbm>>
        %dma_wait3A_61 = tpu.memref_squeeze %dma_wait3A_60 : memref<1x1x1x64xi32, #tpu.memory_space<hbm>> -> memref<1x1x64xi32, #tpu.memory_space<hbm>>
        tpu.wait_dma2 semaphore(%run_scoped3A_31 : memref<!tpu.dma_semaphore, #tpu.memory_space<semaphore_mem>>) src(%dma_wait3A_61 : memref<1x1x64xi32, #tpu.memory_space<hbm>>) dst(%dma_wait3A_57 : memref<1x1x64xi32, #tpu.memory_space<vmem>>)
        tpu.yield
      }) : () -> ()
    } else {
    }
    %broadcast_in_dim3A = arith.constant 0.000000e+00 : f32
    %broadcast_in_dim3A_9 = vector.broadcast %broadcast_in_dim3A : f32 to vector<16xf32>
    %scan3A = arith.constant 0 : i32
    %scan3A_10 = arith.constant 0 : i32
    %scan3A_11 = arith.constant 640 : i32
    %scan3A_12 = arith.addi %scan3A_10, %scan3A_11 : i32
    %scan3A_13 = arith.constant 1 : i32
    scf.for %scan3A_29 = %scan3A_10 to %scan3A_12 step %scan3A_13  : i32 {
      %mul3A_30 = arith.constant 16 : i32
      %mul3A_31 = arith.muli %scan3A_29, %mul3A_30 : i32
      %swap3A = arith.index_cast %mul3A_31 : i32 to index
      %swap3A_32 = tpu.vector_load %arg7[%swap3A] {strides = array<i32>} : memref<10240xf32, #tpu.memory_space<vmem>>, vector<16xf32>,
      tpu.vector_store %arg7[%swap3A], %broadcast_in_dim3A_9 {strides = array<i32>} : memref<10240xf32, #tpu.memory_space<vmem>>, vector<16xf32>,
      %mul3A_33 = arith.constant 16 : i32
      %mul3A_34 = arith.muli %scan3A_29, %mul3A_33 : i32
      %swap3A_35 = arith.index_cast %mul3A_34 : i32 to index
      %swap3A_36 = tpu.vector_load %arg8[%swap3A_35] {strides = array<i32>} : memref<10240xf32, #tpu.memory_space<vmem>>, vector<16xf32>,
      tpu.vector_store %arg8[%swap3A_35], %broadcast_in_dim3A_9 {strides = array<i32>} : memref<10240xf32, #tpu.memory_space<vmem>>, vector<16xf32>,
    }
    %scan3A_14 = arith.constant 640 : i32
    %broadcast_in_dim3A_15 = arith.constant 1.000000e+00 : f32
    %broadcast_in_dim3A_16 = vector.broadcast %broadcast_in_dim3A_15 : f32 to vector<16xf32>
    %jit3A = arith.constant 628 : i32
    %jit3A_17 = arith.constant 624 : i32
    %select_n3A = arith.select %ge3A_4, %jit3A, %jit3A_17 : i32
    %while3A = arith.constant 0 : i32
    %while3A_18 = arith.constant 0 : i32
    %while3A_19 = arith.subi %select_n3A, %while3A_18 : i32
    %while3A_20 = arith.addi %while3A_18, %while3A_19 : i32
    %while3A_21 = arith.constant 1 : i32
    %while3A_22 = arith.divsi %while3A_19, %while3A_21 : i32
    %while3A_23 = arith.muli %while3A_22, %while3A_21 : i32
    %while3A_24 = arith.addi %while3A_18, %while3A_23 : i32
    %while3A_25 = arith.constant 1 : i32
    scf.for %while3A_29 = %while3A_18 to %while3A_24 step %while3A_25  : i32 {
      %jit3A_30 = arith.constant 4 : i32
      %div3A = arith.divsi %while3A_29, %jit3A_30 : i32
      %sign3A = arith.constant 0 : i32
      %sign3A_31 = arith.cmpi sgt, %while3A_29, %sign3A : i32
      %sign3A_32 = arith.extui %sign3A_31 : i1 to i32
      %sign3A_33 = arith.constant 0 : i32
      %sign3A_34 = arith.cmpi slt, %while3A_29, %sign3A_33 : i32
      %sign3A_35 = arith.extui %sign3A_34 : i1 to i32
      %sign3A_36 = arith.subi %sign3A_32, %sign3A_35 : i32
      %sign3A_37 = arith.constant 0 : i32
      %sign3A_38 = arith.cmpi sgt, %jit3A_30, %sign3A_37 : i32
      %sign3A_39 = arith.extui %sign3A_38 : i1 to i32
      %sign3A_40 = arith.constant 0 : i32
      %sign3A_41 = arith.cmpi slt, %jit3A_30, %sign3A_40 : i32
      %sign3A_42 = arith.extui %sign3A_41 : i1 to i32
      %sign3A_43 = arith.subi %sign3A_39, %sign3A_42 : i32
      %ne3A = arith.cmpi ne, %sign3A_36, %sign3A_43 : i32
      %rem3A = arith.remsi %while3A_29, %jit3A_30 : i32
      %ne3A_44 = arith.constant 0 : i32
      %ne3A_45 = arith.cmpi ne, %rem3A, %ne3A_44 : i32
      %and3A = arith.andi %ne3A, %ne3A_45 : i1
      %sub3A_46 = arith.constant 1 : i32
      %sub3A_47 = arith.subi %div3A, %sub3A_46 : i32
      %select_n3A_48 = arith.select %and3A, %sub3A_47, %div3A : i32
      %jit3A_49 = arith.constant 4 : i32
      %eq3A = arith.constant 0 : i32
      %eq3A_50 = arith.cmpi eq, %jit3A_49, %eq3A : i32
      %jit3A_51 = arith.constant 1 : i32
      %select_n3A_52 = arith.select %eq3A_50, %jit3A_51, %jit3A_49 : i32
      %rem3A_53 = arith.remsi %while3A_29, %select_n3A_52 : i32
      %ne3A_54 = arith.constant 0 : i32
      %ne3A_55 = arith.cmpi ne, %rem3A_53, %ne3A_54 : i32
      %lt3A = arith.constant 0 : i32
      %lt3A_56 = arith.cmpi slt, %rem3A_53, %lt3A : i32
      %lt3A_57 = arith.constant 0 : i32
      %lt3A_58 = arith.cmpi slt, %select_n3A_52, %lt3A_57 : i32
      %ne3A_59 = arith.xori %lt3A_56, %lt3A_58 : i1
      %and3A_60 = arith.andi %ne3A_59, %ne3A_55 : i1
      %add3A_61 = arith.addi %rem3A_53, %select_n3A_52 : i32
      %select_n3A_62 = arith.select %and3A_60, %add3A_61, %rem3A_53 : i32
      %mul3A_63 = arith.constant 16 : i32
      %mul3A_64 = arith.muli %select_n3A_62, %mul3A_63 : i32
      %get3A = arith.constant 0 : i32
      %get3A_65 = arith.index_cast %select_n3A_48 : i32 to index
      %get3A_66 = arith.index_cast %get3A : i32 to index
      %get3A_67 = arith.index_cast %mul3A_64 : i32 to index
      %get3A_68 = tpu.vector_load %arg5[%get3A_65, %get3A_66, %get3A_67] {strides = array<i32>} : memref<164x1x64xi32, #tpu.memory_space<vmem>>, vector<16xi32>,
      %get3A_69 = arith.constant 0 : i32
      %get3A_70 = arith.index_cast %select_n3A_48 : i32 to index
      %get3A_71 = arith.index_cast %get3A_69 : i32 to index
      %get3A_72 = arith.index_cast %mul3A_64 : i32 to index
      %get3A_73 = tpu.vector_load %arg6[%get3A_70, %get3A_71, %get3A_72] {strides = array<i32>} : memref<164x1x64xi32, #tpu.memory_space<vmem>>, vector<16xi32>,
      tpu.vector_store_idx %arg7[%get3A_68], %broadcast_in_dim3A_16 {add = true} : memref<10240xf32, #tpu.memory_space<vmem>>[vector<16xi32>], vector<16xf32>,
      tpu.vector_store_idx %arg8[%get3A_73], %broadcast_in_dim3A_16 {add = true} : memref<10240xf32, #tpu.memory_space<vmem>>[vector<16xi32>], vector<16xf32>,
    }
    %while3A_26 = arith.constant 1 : i32
    scf.for %while3A_29 = %while3A_24 to %while3A_20 step %while3A_26  : i32 {
      %jit3A_30 = arith.constant 4 : i32
      %div3A = arith.divsi %while3A_29, %jit3A_30 : i32
      %sign3A = arith.constant 0 : i32
      %sign3A_31 = arith.cmpi sgt, %while3A_29, %sign3A : i32
      %sign3A_32 = arith.extui %sign3A_31 : i1 to i32
      %sign3A_33 = arith.constant 0 : i32
      %sign3A_34 = arith.cmpi slt, %while3A_29, %sign3A_33 : i32
      %sign3A_35 = arith.extui %sign3A_34 : i1 to i32
      %sign3A_36 = arith.subi %sign3A_32, %sign3A_35 : i32
      %sign3A_37 = arith.constant 0 : i32
      %sign3A_38 = arith.cmpi sgt, %jit3A_30, %sign3A_37 : i32
      %sign3A_39 = arith.extui %sign3A_38 : i1 to i32
      %sign3A_40 = arith.constant 0 : i32
      %sign3A_41 = arith.cmpi slt, %jit3A_30, %sign3A_40 : i32
      %sign3A_42 = arith.extui %sign3A_41 : i1 to i32
      %sign3A_43 = arith.subi %sign3A_39, %sign3A_42 : i32
      %ne3A = arith.cmpi ne, %sign3A_36, %sign3A_43 : i32
      %rem3A = arith.remsi %while3A_29, %jit3A_30 : i32
      %ne3A_44 = arith.constant 0 : i32
      %ne3A_45 = arith.cmpi ne, %rem3A, %ne3A_44 : i32
      %and3A = arith.andi %ne3A, %ne3A_45 : i1
      %sub3A_46 = arith.constant 1 : i32
      %sub3A_47 = arith.subi %div3A, %sub3A_46 : i32
      %select_n3A_48 = arith.select %and3A, %sub3A_47, %div3A : i32
      %jit3A_49 = arith.constant 4 : i32
      %eq3A = arith.constant 0 : i32
      %eq3A_50 = arith.cmpi eq, %jit3A_49, %eq3A : i32
      %jit3A_51 = arith.constant 1 : i32
      %select_n3A_52 = arith.select %eq3A_50, %jit3A_51, %jit3A_49 : i32
      %rem3A_53 = arith.remsi %while3A_29, %select_n3A_52 : i32
      %ne3A_54 = arith.constant 0 : i32
      %ne3A_55 = arith.cmpi ne, %rem3A_53, %ne3A_54 : i32
      %lt3A = arith.constant 0 : i32
      %lt3A_56 = arith.cmpi slt, %rem3A_53, %lt3A : i32
      %lt3A_57 = arith.constant 0 : i32
      %lt3A_58 = arith.cmpi slt, %select_n3A_52, %lt3A_57 : i32
      %ne3A_59 = arith.xori %lt3A_56, %lt3A_58 : i1
      %and3A_60 = arith.andi %ne3A_59, %ne3A_55 : i1
      %add3A_61 = arith.addi %rem3A_53, %select_n3A_52 : i32
      %select_n3A_62 = arith.select %and3A_60, %add3A_61, %rem3A_53 : i32
      %mul3A_63 = arith.constant 16 : i32
      %mul3A_64 = arith.muli %select_n3A_62, %mul3A_63 : i32
      %get3A = arith.constant 0 : i32
      %get3A_65 = arith.index_cast %select_n3A_48 : i32 to index
      %get3A_66 = arith.index_cast %get3A : i32 to index
      %get3A_67 = arith.index_cast %mul3A_64 : i32 to index
      %get3A_68 = tpu.vector_load %arg5[%get3A_65, %get3A_66, %get3A_67] {strides = array<i32>} : memref<164x1x64xi32, #tpu.memory_space<vmem>>, vector<16xi32>,
      %get3A_69 = arith.constant 0 : i32
      %get3A_70 = arith.index_cast %select_n3A_48 : i32 to index
      %get3A_71 = arith.index_cast %get3A_69 : i32 to index
      %get3A_72 = arith.index_cast %mul3A_64 : i32 to index
      %get3A_73 = tpu.vector_load %arg6[%get3A_70, %get3A_71, %get3A_72] {strides = array<i32>} : memref<164x1x64xi32, #tpu.memory_space<vmem>>, vector<16xi32>,
      tpu.vector_store_idx %arg7[%get3A_68], %broadcast_in_dim3A_16 {add = true} : memref<10240xf32, #tpu.memory_space<vmem>>[vector<16xi32>], vector<16xf32>,
      tpu.vector_store_idx %arg8[%get3A_73], %broadcast_in_dim3A_16 {add = true} : memref<10240xf32, #tpu.memory_space<vmem>>[vector<16xi32>], vector<16xf32>,
    }
    %run_scoped3A_27 = arith.constant 0 : i32
    "tpu.region"() ({
      %run_scoped3A_29 = tpu.sem_alloc : memref<!tpu.dma_semaphore, #tpu.memory_space<semaphore_mem>>
      %dma_start3A = arith.constant 0 : i32
      %dma_start3A_30 = tpu.memref_slice %arg3[%add3A, %run_scoped3A_27, %dma_start3A] : memref<32x1x10240xf32, #tpu.memory_space<hbm>> -> memref<1x1x10240xf32, #tpu.memory_space<hbm>>
      %dma_start3A_31 = tpu.memref_squeeze %dma_start3A_30 : memref<1x1x10240xf32, #tpu.memory_space<hbm>> -> memref<10240xf32, #tpu.memory_space<hbm>>
      %dma_start3A_32 = arith.constant 0 : i32
      %dma_start3A_33 = tpu.memref_slice %arg3[%add3A, %run_scoped3A_27, %dma_start3A_32] : memref<32x1x10240xf32, #tpu.memory_space<hbm>> -> memref<1x1x10240xf32, #tpu.memory_space<hbm>>
      %dma_start3A_34 = tpu.memref_squeeze %dma_start3A_33 : memref<1x1x10240xf32, #tpu.memory_space<hbm>> -> memref<10240xf32, #tpu.memory_space<hbm>>
      tpu.enqueue_dma source(%arg7 : memref<10240xf32, #tpu.memory_space<vmem>>) target(%dma_start3A_34 : memref<10240xf32, #tpu.memory_space<hbm>>) target_semaphore(%run_scoped3A_29 : memref<!tpu.dma_semaphore, #tpu.memory_space<semaphore_mem>>)
      %dma_wait3A = arith.constant 0 : i32
      %dma_wait3A_35 = tpu.memref_slice %arg3[%add3A, %run_scoped3A_27, %dma_wait3A] : memref<32x1x10240xf32, #tpu.memory_space<hbm>> -> memref<1x1x10240xf32, #tpu.memory_space<hbm>>
      %dma_wait3A_36 = tpu.memref_squeeze %dma_wait3A_35 : memref<1x1x10240xf32, #tpu.memory_space<hbm>> -> memref<10240xf32, #tpu.memory_space<hbm>>
      %dma_wait3A_37 = arith.constant 0 : i32
      %dma_wait3A_38 = tpu.memref_slice %arg3[%add3A, %run_scoped3A_27, %dma_wait3A_37] : memref<32x1x10240xf32, #tpu.memory_space<hbm>> -> memref<1x1x10240xf32, #tpu.memory_space<hbm>>
      %dma_wait3A_39 = tpu.memref_squeeze %dma_wait3A_38 : memref<1x1x10240xf32, #tpu.memory_space<hbm>> -> memref<10240xf32, #tpu.memory_space<hbm>>
      tpu.wait_dma2 semaphore(%run_scoped3A_29 : memref<!tpu.dma_semaphore, #tpu.memory_space<semaphore_mem>>) src(%arg7 : memref<10240xf32, #tpu.memory_space<vmem>>) dst(%dma_wait3A_39 : memref<10240xf32, #tpu.memory_space<hbm>>)
      tpu.yield
    }) : () -> ()
    %run_scoped3A_28 = arith.constant 0 : i32
    "tpu.region"() ({
      %run_scoped3A_29 = tpu.sem_alloc : memref<!tpu.dma_semaphore, #tpu.memory_space<semaphore_mem>>
      %dma_start3A = arith.constant 0 : i32
      %dma_start3A_30 = tpu.memref_slice %arg4[%add3A, %run_scoped3A_28, %dma_start3A] : memref<32x1x10240xf32, #tpu.memory_space<hbm>> -> memref<1x1x10240xf32, #tpu.memory_space<hbm>>
      %dma_start3A_31 = tpu.memref_squeeze %dma_start3A_30 : memref<1x1x10240xf32, #tpu.memory_space<hbm>> -> memref<10240xf32, #tpu.memory_space<hbm>>
      %dma_start3A_32 = arith.constant 0 : i32
      %dma_start3A_33 = tpu.memref_slice %arg4[%add3A, %run_scoped3A_28, %dma_start3A_32] : memref<32x1x10240xf32, #tpu.memory_space<hbm>> -> memref<1x1x10240xf32, #tpu.memory_space<hbm>>
      %dma_start3A_34 = tpu.memref_squeeze %dma_start3A_33 : memref<1x1x10240xf32, #tpu.memory_space<hbm>> -> memref<10240xf32, #tpu.memory_space<hbm>>
      tpu.enqueue_dma source(%arg8 : memref<10240xf32, #tpu.memory_space<vmem>>) target(%dma_start3A_34 : memref<10240xf32, #tpu.memory_space<hbm>>) target_semaphore(%run_scoped3A_29 : memref<!tpu.dma_semaphore, #tpu.memory_space<semaphore_mem>>)
      %dma_wait3A = arith.constant 0 : i32
      %dma_wait3A_35 = tpu.memref_slice %arg4[%add3A, %run_scoped3A_28, %dma_wait3A] : memref<32x1x10240xf32, #tpu.memory_space<hbm>> -> memref<1x1x10240xf32, #tpu.memory_space<hbm>>
      %dma_wait3A_36 = tpu.memref_squeeze %dma_wait3A_35 : memref<1x1x10240xf32, #tpu.memory_space<hbm>> -> memref<10240xf32, #tpu.memory_space<hbm>>
      %dma_wait3A_37 = arith.constant 0 : i32
      %dma_wait3A_38 = tpu.memref_slice %arg4[%add3A, %run_scoped3A_28, %dma_wait3A_37] : memref<32x1x10240xf32, #tpu.memory_space<hbm>> -> memref<1x1x10240xf32, #tpu.memory_space<hbm>>
      %dma_wait3A_39 = tpu.memref_squeeze %dma_wait3A_38 : memref<1x1x10240xf32, #tpu.memory_space<hbm>> -> memref<10240xf32, #tpu.memory_space<hbm>>
      tpu.wait_dma2 semaphore(%run_scoped3A_29 : memref<!tpu.dma_semaphore, #tpu.memory_space<semaphore_mem>>) src(%arg8 : memref<10240xf32, #tpu.memory_space<vmem>>) dst(%dma_wait3A_39 : memref<10240xf32, #tpu.memory_space<hbm>>)
      tpu.yield
    }) : () -> ()
    return
  }
}

module attributes {stable_mosaic.version = 14 : i64} {
  func.func @_tc_scale_mm_body(%arg0: i32, %arg1: memref<32x1x1280xf32, #tpu.memory_space<vmem>>, %arg2: memref<1280x128xf32, #tpu.memory_space<vmem>>, %arg3: memref<128x128xf32, #tpu.memory_space<vmem>>, %arg4: memref<128x128xf32, #tpu.memory_space<vmem>>, %arg5: memref<1280x128xf32, #tpu.memory_space<vmem>>, %arg6: memref<128x128xf32, #tpu.memory_space<vmem>>) attributes {dimension_semantics = [#tpu.dimension_semantics<arbitrary>], iteration_bounds = array<i64: 8>, scalar_prefetch = 0 : i64, scratch_operands = 1 : i64, tpu.core_type = #tpu.core_type<tc>, window_params = [{transform_indices = @transform_0, window_bounds = array<i64: 32, 1, 1280>}, {transform_indices = @transform_1, window_bounds = array<i64: 1280, 128>}, {pipeline_mode = #tpu.pipeline_mode<synchronous>, transform_indices = @transform_2, window_bounds = array<i64: 128, 128>}, {pipeline_mode = #tpu.pipeline_mode<synchronous>, transform_indices = @transform_3, window_bounds = array<i64: 128, 128>}, {transform_indices = @transform_4, window_bounds = array<i64: 1280, 128>}]} {
    %eq3A = arith.constant 0 : i32
    %eq3A_0 = arith.cmpi eq, %arg0, %eq3A : i32
    %convert_element_type3A = arith.extui %eq3A_0 : i1 to i32
    %cond3A = arith.constant 0 : i32
    %cond3A_1 = arith.cmpi ne, %convert_element_type3A, %cond3A : i32
    scf.if %cond3A_1 {
      %get3A_21 = arith.constant 0 : index
      %get3A_22 = arith.constant 0 : index
      %get3A_23 = vector.load %arg3[%get3A_21, %get3A_22] : memref<128x128xf32, #tpu.memory_space<vmem>>, vector<128x128xf32>
      %get3A_24 = arith.constant 0 : index
      %get3A_25 = arith.constant 0 : index
      %get3A_26 = vector.load %arg4[%get3A_24, %get3A_25] : memref<128x128xf32, #tpu.memory_space<vmem>>, vector<128x128xf32>
      %dot_general3A_27 = arith.constant dense<0.000000e+00> : vector<128x128xf32>
      %dot_general3A_28 = tpu.matmul %get3A_23, %get3A_26, %dot_general3A_27 {dimension_numbers = #tpu.dot_dimension_numbers<[1], [0], [0], [1], [0, 0, 1, 1], [], []>, transpose_lhs_hint = false} : vector<128x128xf32>, vector<128x128xf32>, vector<128x128xf32> -> vector<128x128xf32>
      %swap3A_29 = arith.constant 0 : index
      %swap3A_30 = arith.constant 0 : index
      %swap3A_31 = vector.load %arg6[%swap3A_29, %swap3A_30] : memref<128x128xf32, #tpu.memory_space<vmem>>, vector<128x128xf32>
      tpu.vector_store %arg6[%swap3A_29, %swap3A_30], %dot_general3A_28 {strides = array<i32>} : memref<128x128xf32, #tpu.memory_space<vmem>>, vector<128x128xf32>,
    } else {
    }
    %get3A = arith.constant 0 : index
    %get3A_2 = arith.constant 0 : index
    %get3A_3 = arith.constant 0 : index
    %get3A_4 = vector.load %arg1[%get3A, %get3A_2, %get3A_3] : memref<32x1x1280xf32, #tpu.memory_space<vmem>>, vector<32x1x1280xf32>
    %get3A_5 = vector.shape_cast %get3A_4 : vector<32x1x1280xf32> to vector<32x1280xf32>
    %broadcast_in_dim3A = arith.constant 1.000000e+00 : f32
    %broadcast_in_dim3A_6 = vector.broadcast %broadcast_in_dim3A : f32 to vector<32x1xf32>
    %dot_general3A = arith.constant dense<0.000000e+00> : vector<1280x1xf32>
    %dot_general3A_7 = tpu.matmul %get3A_5, %broadcast_in_dim3A_6, %dot_general3A {dimension_numbers = #tpu.dot_dimension_numbers<[0], [0], [1], [1], [0, 1, 1, 1], [], []>, transpose_lhs_hint = false} : vector<32x1280xf32>, vector<32x1xf32>, vector<1280x1xf32> -> vector<1280x1xf32>
    %max3A = arith.constant 1.000000e+00 : f32
    %max3A_8 = vector.broadcast %max3A : f32 to vector<1280x1xf32>
    %max3A_9 = arith.maximumf %dot_general3A_7, %max3A_8 : vector<1280x1xf32>
    %rsqrt3A = math.rsqrt %max3A_9 : vector<1280x1xf32>
    %get3A_10 = arith.constant 0 : index
    %get3A_11 = arith.constant 0 : index
    %get3A_12 = vector.load %arg2[%get3A_10, %get3A_11] : memref<1280x128xf32, #tpu.memory_space<vmem>>, vector<1280x128xf32>
    %get3A_13 = arith.constant 0 : index
    %get3A_14 = arith.constant 0 : index
    %get3A_15 = vector.load %arg6[%get3A_13, %get3A_14] : memref<128x128xf32, #tpu.memory_space<vmem>>, vector<128x128xf32>
    %dot_general3A_16 = arith.constant dense<0.000000e+00> : vector<1280x128xf32>
    %dot_general3A_17 = tpu.matmul %get3A_12, %get3A_15, %dot_general3A_16 {dimension_numbers = #tpu.dot_dimension_numbers<[1], [0], [0], [1], [0, 0, 1, 1], [], []>, transpose_lhs_hint = false} : vector<1280x128xf32>, vector<128x128xf32>, vector<1280x128xf32> -> vector<1280x128xf32>
    %mul3A = vector.broadcast %rsqrt3A : vector<1280x1xf32> to vector<1280x128xf32>
    %mul3A_18 = arith.mulf %dot_general3A_17, %mul3A : vector<1280x128xf32>
    %swap3A = arith.constant 0 : index
    %swap3A_19 = arith.constant 0 : index
    %swap3A_20 = vector.load %arg5[%swap3A, %swap3A_19] : memref<1280x128xf32, #tpu.memory_space<vmem>>, vector<1280x128xf32>
    tpu.vector_store %arg5[%swap3A, %swap3A_19], %mul3A_18 {strides = array<i32>} : memref<1280x128xf32, #tpu.memory_space<vmem>>, vector<1280x128xf32>,
    return
  }
  func.func @transform_0(%arg0: i32) -> (i32, i32, i32) {
    %c0_i32 = arith.constant 0 : i32
    %c0_i32_0 = arith.constant 0 : i32
    %c0_i32_1 = arith.constant 0 : i32
    return %c0_i32, %c0_i32_0, %arg0 : i32, i32, i32
  }
  func.func @transform_1(%arg0: i32) -> (i32, i32) {
    %c0_i32 = arith.constant 0 : i32
    %c0_i32_0 = arith.constant 0 : i32
    return %arg0, %c0_i32 : i32, i32
  }
  func.func @transform_2(%arg0: i32) -> (i32, i32) {
    %c0_i32 = arith.constant 0 : i32
    %c0_i32_0 = arith.constant 0 : i32
    %c0_i32_1 = arith.constant 0 : i32
    return %c0_i32, %c0_i32_0 : i32, i32
  }
  func.func @transform_3(%arg0: i32) -> (i32, i32) {
    %c0_i32 = arith.constant 0 : i32
    %c0_i32_0 = arith.constant 0 : i32
    %c0_i32_1 = arith.constant 0 : i32
    return %c0_i32, %c0_i32_0 : i32, i32
  }
  func.func @transform_4(%arg0: i32) -> (i32, i32) {
    %c0_i32 = arith.constant 0 : i32
    %c0_i32_0 = arith.constant 0 : i32
    return %arg0, %c0_i32 : i32, i32
  }
}

module attributes {stable_mosaic.version = 14 : i64} {
  func.func @_tc_out_body(%arg0: i32, %arg1: memref<2x1280x128xf32, #tpu.memory_space<vmem>>, %arg2: memref<32x1x1280xf32, #tpu.memory_space<vmem>>, %arg3: memref<1x128xf32, #tpu.memory_space<vmem>>, %arg4: memref<128x128xf32, #tpu.memory_space<vmem>>, %arg5: memref<1x128xf32, #tpu.memory_space<vmem>>, %arg6: memref<1280x128xf32, #tpu.memory_space<vmem>>) attributes {dimension_semantics = [#tpu.dimension_semantics<arbitrary>], iteration_bounds = array<i64: 8>, scalar_prefetch = 0 : i64, scratch_operands = 0 : i64, tpu.core_type = #tpu.core_type<tc>, window_params = [{transform_indices = @transform_0, window_bounds = array<i64: 2, 1280, 128>}, {transform_indices = @transform_1, window_bounds = array<i64: 32, 1, 1280>}, {pipeline_mode = #tpu.pipeline_mode<synchronous>, transform_indices = @transform_2, window_bounds = array<i64: 1, 128>}, {pipeline_mode = #tpu.pipeline_mode<synchronous>, transform_indices = @transform_3, window_bounds = array<i64: 128, 128>}, {pipeline_mode = #tpu.pipeline_mode<synchronous>, transform_indices = @transform_4, window_bounds = array<i64: 1, 128>}, {transform_indices = @transform_5, window_bounds = array<i64: 1280, 128>}]} {
    %get3A = arith.constant 0 : index
    %get3A_0 = arith.constant 0 : index
    %get3A_1 = arith.constant 0 : index
    %get3A_2 = vector.load %arg2[%get3A, %get3A_0, %get3A_1] : memref<32x1x1280xf32, #tpu.memory_space<vmem>>, vector<32x1x1280xf32>
    %get3A_3 = vector.shape_cast %get3A_2 : vector<32x1x1280xf32> to vector<32x1280xf32>
    %broadcast_in_dim3A = arith.constant 1.000000e+00 : f32
    %broadcast_in_dim3A_4 = vector.broadcast %broadcast_in_dim3A : f32 to vector<32x1xf32>
    %dot_general3A = arith.constant dense<0.000000e+00> : vector<1280x1xf32>
    %dot_general3A_5 = tpu.matmul %get3A_3, %broadcast_in_dim3A_4, %dot_general3A {dimension_numbers = #tpu.dot_dimension_numbers<[0], [0], [1], [1], [0, 1, 1, 1], [], []>, transpose_lhs_hint = false} : vector<32x1280xf32>, vector<32x1xf32>, vector<1280x1xf32> -> vector<1280x1xf32>
    %max3A = arith.constant 1.000000e+00 : f32
    %max3A_6 = vector.broadcast %max3A : f32 to vector<1280x1xf32>
    %max3A_7 = arith.maximumf %dot_general3A_5, %max3A_6 : vector<1280x1xf32>
    %rsqrt3A = math.rsqrt %max3A_7 : vector<1280x1xf32>
    %get3A_8 = arith.constant 0 : index
    %get3A_9 = arith.constant 0 : index
    %get3A_10 = vector.load %arg3[%get3A_8, %get3A_9] : memref<1x128xf32, #tpu.memory_space<vmem>>, vector<1x128xf32>
    %get3A_11 = arith.constant 0 : index
    %get3A_12 = arith.constant 0 : index
    %get3A_13 = vector.load %arg4[%get3A_11, %get3A_12] : memref<128x128xf32, #tpu.memory_space<vmem>>, vector<128x128xf32>
    %dot_general3A_14 = arith.constant dense<0.000000e+00> : vector<1x128xf32>
    %dot_general3A_15 = tpu.matmul %get3A_10, %get3A_13, %dot_general3A_14 {dimension_numbers = #tpu.dot_dimension_numbers<[1], [0], [0], [1], [0, 0, 1, 1], [], []>, transpose_lhs_hint = false} : vector<1x128xf32>, vector<128x128xf32>, vector<1x128xf32> -> vector<1x128xf32>
    %get3A_16 = arith.constant 0 : index
    %get3A_17 = arith.constant 0 : index
    %get3A_18 = vector.load %arg5[%get3A_16, %get3A_17] : memref<1x128xf32, #tpu.memory_space<vmem>>, vector<1x128xf32>
    %add3A = arith.addf %dot_general3A_15, %get3A_18 : vector<1x128xf32>
    %get3A_19 = arith.constant 0 : index
    %get3A_20 = arith.constant 0 : index
    %get3A_21 = arith.constant 0 : index
    %get3A_22 = vector.load %arg1[%get3A_19, %get3A_20, %get3A_21] : memref<2x1280x128xf32, #tpu.memory_space<vmem>>, vector<1x1280x128xf32>
    %get3A_23 = vector.shape_cast %get3A_22 : vector<1x1280x128xf32> to vector<1280x128xf32>
    %get3A_24 = arith.constant 1 : index
    %get3A_25 = arith.constant 0 : index
    %get3A_26 = arith.constant 0 : index
    %get3A_27 = vector.load %arg1[%get3A_24, %get3A_25, %get3A_26] : memref<2x1280x128xf32, #tpu.memory_space<vmem>>, vector<1x1280x128xf32>
    %get3A_28 = vector.shape_cast %get3A_27 : vector<1x1280x128xf32> to vector<1280x128xf32>
    %add3A_29 = arith.addf %get3A_23, %get3A_28 : vector<1280x128xf32>
    %mul3A = vector.broadcast %rsqrt3A : vector<1280x1xf32> to vector<1280x128xf32>
    %mul3A_30 = arith.mulf %add3A_29, %mul3A : vector<1280x128xf32>
    %add3A_31 = vector.broadcast %add3A : vector<1x128xf32> to vector<1280x128xf32>
    %add3A_32 = arith.addf %mul3A_30, %add3A_31 : vector<1280x128xf32>
    %swap3A = arith.constant 0 : index
    %swap3A_33 = arith.constant 0 : index
    %swap3A_34 = vector.load %arg6[%swap3A, %swap3A_33] : memref<1280x128xf32, #tpu.memory_space<vmem>>, vector<1280x128xf32>
    tpu.vector_store %arg6[%swap3A, %swap3A_33], %add3A_32 {strides = array<i32>} : memref<1280x128xf32, #tpu.memory_space<vmem>>, vector<1280x128xf32>,
    return
  }
  func.func @transform_0(%arg0: i32) -> (i32, i32, i32) {
    %c0_i32 = arith.constant 0 : i32
    %c0_i32_0 = arith.constant 0 : i32
    %c0_i32_1 = arith.constant 0 : i32
    return %c0_i32, %arg0, %c0_i32_0 : i32, i32, i32
  }
  func.func @transform_1(%arg0: i32) -> (i32, i32, i32) {
    %c0_i32 = arith.constant 0 : i32
    %c0_i32_0 = arith.constant 0 : i32
    %c0_i32_1 = arith.constant 0 : i32
    return %c0_i32, %c0_i32_0, %arg0 : i32, i32, i32
  }
  func.func @transform_2(%arg0: i32) -> (i32, i32) {
    %c0_i32 = arith.constant 0 : i32
    %c0_i32_0 = arith.constant 0 : i32
    %c0_i32_1 = arith.constant 0 : i32
    return %c0_i32, %c0_i32_0 : i32, i32
  }
  func.func @transform_3(%arg0: i32) -> (i32, i32) {
    %c0_i32 = arith.constant 0 : i32
    %c0_i32_0 = arith.constant 0 : i32
    %c0_i32_1 = arith.constant 0 : i32
    return %c0_i32, %c0_i32_0 : i32, i32
  }
  func.func @transform_4(%arg0: i32) -> (i32, i32) {
    %c0_i32 = arith.constant 0 : i32
    %c0_i32_0 = arith.constant 0 : i32
    %c0_i32_1 = arith.constant 0 : i32
    return %c0_i32, %c0_i32_0 : i32, i32
  }
  func.func @transform_5(%arg0: i32) -> (i32, i32) {
    %c0_i32 = arith.constant 0 : i32
    %c0_i32_0 = arith.constant 0 : i32
    return %arg0, %c0_i32 : i32, i32
  }
}

</mosaic_0001>

<sc_bundles>
// kernel: kernel.6.cloned.1.call-start
scs
__scs_entry_jumppad:
0x0: {  	(pc) =	sbr.rel $0x88, $3  }
0x1: {  	(tag) =	ssettag $0x0;
	lr =	simm.s32 $0x1  }
0x2: {  	[smem:$0x3F9B] =	sst lr;
	_ =	strace $0xD0000000  }
0x3: {  	_ = 	snop  }
0x4: {  	_ = 	snop  }
0x5: {  	_ = 	snop  }
0x6: {  	_ = 	snop  }
0x7: {  	_ = 	snop  }
__scs_overlays_trampoline_lowered:
0x8: {  	[smem:$0x3FAA] =	sst s0  }
0x9: {  	[smem:$0x3FAB] =	sst s1  }
0xa: {  	[smem:$0x3FAC] =	sst s2  }
0xb: {  	[smem:$0x3FAD] =	sst s3  }
0xc: {  	[smem:$0x3FAE] =	sst s4  }
0xd: {  	[smem:$0x3FAF] =	sst s5  }
0xe: {  	[smem:$0x3FB0] =	sst s6  }
0xf: {  	[smem:$0x3FB1] =	sst s7  }
0x10: {  	[smem:$0x3FB2] =	sst s8  }
0x11: {  	[smem:$0x3FB3] =	sst s9;
	s0 =	simm.s32 @!p0 $0x0  }
0x12: {  	s1 =	sld [smem:$0x3F99];
	s0 =	simm.s32 @p0 $0x1  }
0x13: {  	[smem:$0x3FB4] =	sst s0;
	s0 =	simm.s32 @!p1 $0x0  }
0x14: {  	s2 =	sld [smem:$0x3F98];
	s0 =	simm.s32 @p1 $0x1  }
0x15: {  	[smem:$0x3FB5] =	sst s0;
	s0 =	simm.s32 @!p2 $0x0  }
0x16: {  	s3 =	sld [smem:$0x3FDB];
	s0 =	simm.s32 @p2 $0x1  }
0x17: {  	s4 =	simm.s32 $0x1BF5;
	[smem:$0x3FB7] =	sst s0  }
0x18: {  	s0 =	sld [smem:$0x3F9A];
	_ =	swait.ge [sflag:s4], $0x0  }
0x19: {  	s7 =	sld [smem:$0x3F9B]  }
0x1a: {  	s8 =	sadd.s32 $0xFFFFE003, lr  }
0x1b: {  	s9 =	sadd.s32 $0xFFFFFEF7, lr;
	s5 =	simm.s32 $0xFFFFFFFF;
	p2 =	slt.u32 s8, $0xFFFFF086  }
0x1c: {  	p1 =	slt.u32 s9, $0xF7A;
	s5 =	simm.s32 @!p2 $0x0  }
0x1d: {  	s5 =	simm.s32 @p1 $0x1;
	p0 =	seq.s32 s7, s2  }
0x1e: {  	s7 =	smul.u32 @!p0 $0xF7A, s2;
	p2 =	seq.s32 @!p0 s5, $0x0  }
0x1f: {  	s9 =	smul.u32 $0xF7A, s1;
	s8 =	simm.s32 @!p0 $0x1BF5;
	p2 =	por !p2, p0  }
0x20: {  	[sflag:s8] =	ssyncset.s32 @!p0 $0xFFFFF086;
	s6 =	sadd.s32 @!p0 s3, s7;
	s7 =	simm.s32 @!p0 $0x108  }
0x21: {  	s3 =	sadd.s32 s3, s9;
	s6 =	sadd.s32 @!p0 $0x88, s6;
	s7 =	simm.s32 @p2 $0x1082  }
0x22: {  	[simem:s7], [sflag:s8] =	dma.local @!p0 [hbm:s6], $0xF7A  }
0x23: {  	s9 =	sor.u32 $0xD0000000, s2;
	s6 =	simm.s32 $0x108;
	_ =	swait.ge @!p0 [sflag:s8], $0x0  }
0x24: {  	s3 =	sadd.s32 $0x88, s3;
	s6 =	simm.s32 @!p1 $0x1082;
	[sflag:s4] =	ssyncset.s32 $0xFFFFF086  }
0x25: {  	[simem:s6], [sflag:s4] =	dma.local [hbm:s3], $0xF7A  }
0x26: {  	[smem:$0x3F9B] =	sst s1;
	(tag) =	ssettag s2;
	_ =	strace s9  }
0x27: {  	s1 =	sld [smem:$0x3FAB]  }
0x28: {  	s2 =	sld [smem:$0x3FAC]  }
0x29: {  	s4 =	sld [smem:$0x3FAE]  }
0x2a: {  	p0 =	seq.s32 s5, $0x0;
	s5 =	sld [smem:$0x3FAF]  }
0x2b: {  	s6 =	sld [smem:$0x3FB0]  }
0x2c: {  	s7 =	sld [smem:$0x3FB1]  }
0x2d: {  	s3 =	simm.s32 $0x108;
	s8 =	sld [smem:$0x3FB2]  }
0x2e: {  	s3 =	simm.s32 @!p0 $0x1082;
	s9 =	sld [smem:$0x3FB3]  }
0x2f: {  	lr =	sadd.s32 s0, s3;
	s0 =	sld [smem:$0x3FAA]  }
0x30: {  	s3 =	sld [smem:$0x3FAD]  }
0x31: {  	[smem:$0x3FB6] =	sst s10  }
0x32: {  	s10 =	sld [smem:$0x3FB4];
	_ =	sdelay $0x3  }
0x33: {  	p0 =	seq.s32 s10, $0x1;
	s10 =	sld [smem:$0x3FB6];
	_ =	sdelay $0x3  }
0x34: {  	[smem:$0x3FB6] =	sst s10  }
0x35: {  	s10 =	sld [smem:$0x3FB5];
	_ =	sdelay $0x3  }
0x36: {  	p1 =	seq.s32 s10, $0x1;
	s10 =	sld [smem:$0x3FB6];
	_ =	sdelay $0x3  }
0x37: {  	[smem:$0x3FB6] =	sst s10  }
0x38: {  	s10 =	sld [smem:$0x3FB7]  }
0x39: {  	_ = 	snop;
	(pc) =	sbr.ind lr, $3  }
0x3a: {  	_ = 	snop  }
0x3b: {  	_ = 	snop  }
0x3c: {  	p2 =	seq.s32 s10, $0x1;
	s10 =	sld [smem:$0x3FB6]  }
0x3d: {  	_ =	shalt  }
0x3e: {  	_ =	shalt  }
0x3f: {  	_ =	shalt  }
0x40: {  	_ =	shalt  }
0x41: {  	_ =	shalt  }
0x42: {  	_ =	shalt  }
0x43: {  	_ =	shalt  }
0x44: {  	_ =	shalt  }
0x45: {  	_ =	shalt  }
0x46: {  	_ =	shalt  }
0x47: {  	_ =	shalt  }
0x48: {  	_ =	shalt  }
0x49: {  	_ =	shalt  }
0x4a: {  	_ =	shalt  }
0x4b: {  	_ =	shalt  }
0x4c: {  	_ =	shalt  }
0x4d: {  	_ =	shalt  }
0x4e: {  	_ =	shalt  }
0x4f: {  	_ =	shalt  }
0x50: {  	_ =	shalt  }
0x51: {  	_ =	shalt  }
0x52: {  	_ =	shalt  }
0x53: {  	_ =	shalt  }
0x54: {  	_ =	shalt  }
0x55: {  	_ =	shalt  }
0x56: {  	_ =	shalt  }
0x57: {  	_ =	shalt  }
0x58: {  	_ =	shalt  }
0x59: {  	_ =	shalt  }
0x5a: {  	_ =	shalt  }
0x5b: {  	_ =	shalt  }
0x5c: {  	_ =	shalt  }
0x5d: {  	_ =	shalt  }
0x5e: {  	_ =	shalt  }
0x5f: {  	_ =	shalt  }
0x60: {  	_ =	shalt  }
0x61: {  	_ =	shalt  }
0x62: {  	_ =	shalt  }
0x63: {  	_ =	shalt  }
0x64: {  	_ =	shalt  }
0x65: {  	_ =	shalt  }
0x66: {  	_ =	shalt  }
0x67: {  	_ =	shalt  }
0x68: {  	_ =	shalt  }
0x69: {  	_ =	shalt  }
0x6a: {  	_ =	shalt  }
0x6b: {  	_ =	shalt  }
0x6c: {  	_ =	shalt  }
0x6d: {  	_ =	shalt  }
0x6e: {  	_ =	shalt  }
0x6f: {  	_ =	shalt  }
0x70: {  	_ =	shalt  }
0x71: {  	_ =	shalt  }
0x72: {  	_ =	shalt  }
0x73: {  	_ =	shalt  }
0x74: {  	_ =	shalt  }
0x75: {  	_ =	shalt  }
0x76: {  	_ =	shalt  }
0x77: {  	_ =	shalt  }
0x78: {  	_ =	shalt  }
0x79: {  	_ =	shalt  }
0x7a: {  	_ =	shalt  }
0x7b: {  	_ =	shalt  }
0x7c: {  	_ =	shalt  }
0x7d: {  	_ =	shalt  }
0x7e: {  	_ =	shalt  }
0x7f: {  	_ =	shalt  }
0x80: {  	_ =	shalt  }
0x81: {  	_ =	shalt  }
0x82: {  	_ =	shalt  }
0x83: {  	_ =	shalt  }
0x84: {  	_ =	shalt  }
0x85: {  	_ =	shalt  }
0x86: {  	_ =	shalt  }
0x87: {  	_ =	shalt  }
.Lfunc_end0:
.L_simem_size_0:
called_computation_lowered:
.L_overlay_start_0:
0x88: {  	s2 =	sld [smem:$0x3FD9]  }
0x89: {  	s3 =	sld [smem:$0x3FFE];
	_ =	sdelay $0x1  }
0x8a: {  	s1 =	srdreg.scid  }
0x8b: {  	s0 =	sand.u32 $0x1, s1  }
0x8c: {  	s17 =	sshll.u32 s0, $0xA;
	s2 =	sadd.s32 s3, s2  }
0x8d: {  	s2 =	sadd.s32 s2, s17  }
0x8e: {  	[smem:$0x3FC2] =	sst s2  }
0x8f: {  	_ = 	snop  }
0x90: {  	s2 =	sld [smem:$0x3FD0];
	(tm) =	ssettm $0x1  }
0x91: {  	s18 =	sld [smem:$0x3FFB];
	_ =	sdelay $0x3  }
0x92: {  	_ =	strace s18  }
0x93: {  	s3 =	sld [smem:$0x3FFC];
	_ =	sdelay $0x3  }
0x94: {  	_ =	strace s3  }
0x95: {  	s3 =	sld [smem:$0x3FFD];
	_ =	sdelay $0x3  }
0x96: {  	_ =	strace s3  }
0x97: {  	_ =	strace $0x8FFFFFFF  }
0x98: {  	s19 =	sld [smem:$0x3FDB];
	_ =	sdelay $0x1  }
0x99: {  	s4 =	simm.s32 $_scs_section_size  }
0x9a: {  	s5 =	simm.s32 $_size__tile_overlayer_lowered;
	s6 =	simm.s32 $_tile_overlayer_lowered  }
0x9b: {  	s22 =	simm.s32 $0x1BFF;
	s21 =	sshll.u32 s6, $0x1;
	s3 =	sadd.s32 s4, s19  }
0x9c: {  	s7 =	simm.s32 $0x0;
	s20 =	sshll.u32 s5, $0x1;
	s5 =	sadd.s32 s21, s3  }
0x9d: {  	[timem:s7], [sflag:s22] =	dma.local [hbm:s5], s20  }
0x9e: {  	_ =	swait.ge [sflag:s22], s20  }
0x9f: {  	s4 =	ssub.s32 $0x0, s20;
	[sflag:s22] =	ssyncset.done $0x0  }
0xa0: {  	[sflag:s22] =	ssyncadd.s32 s4;
	_ =	sdelay $0x1  }
0xa1: {  	s23 =	simm.s32 $0x1B8B  }
0xa2: {  	_ =	swait.ge [sflag:s23], $0x1  }
0xa3: {  	[sflag:s23] =	ssyncset.done $0x0  }
0xa4: {  	s25 =	simm.s32 $0x1B8E;
	s24 =	sld [smem:$0x3FFE];
	[sflag:s23] =	ssyncadd.s32 $0xFFFFFFFF  }
0xa5: {  	s26 =	simm.s32 $execute0_lowered;
	[smem:$0x3FD2] =	sst s25  }
0xa6: {  	s5 =	sshll.u32 s26, $0x1;
	_ =	strace $0x80000046;
	[dreg:$0x1] =	wrdreg $0xFFFFFFFF  }
0xa7: {  	s28 =	simm.s32 $_size_execute0_lowered;
	s3 =	sadd.s32 s3, s5;
	[dreg:$0x0] =	wrdreg $0x0  }
0xa8: {  	s5 =	sshll.u32 s28, $0x1;
	[dreg:$0x2] =	wrdreg s3  }
0xa9: {  	[dreg:$0x3] =	wrdreg s5  }
0xaa: {  	[dreg:$0x4] =	wrdreg $0xC0  }
0xab: {  	_ =	task [dreg:s7], $0x5FFFF  }
0xac: {  	[dreg:$0x1] =	wrdreg $0xFFFFFFFF  }
0xad: {  	[dreg:$0x0] =	wrdreg $0x60  }
0xae: {  	[dreg:$0x2] =	wrdreg s2  }
0xaf: {  	[dreg:$0x3] =	wrdreg s24  }
0xb0: {  	[dreg:$0x4] =	wrdreg $0x9  }
0xb1: {  	_ =	task.clear_ibuf [dreg:s7], $0x5FFFF;
	_ =	strace $0x90000046  }
0xb2: {  	s29 =	simm.s32 $0x9;
	_ =	strace $0x80000048  }
0xb3: {  	_ =	swait.ge [sflag:s29], $0x1  }
0xb4: {  	[sflag:s29] =	ssyncadd.s32 $0xFFFFFFFF  }
0xb5: {  	_ =	strace $0x90000048  }
0xb6: {  	_ =	sfence  }
0xb7: {  	s30 =	sld [smem:$0x0];
	_ =	sdelay $0x2  }
0xb8: {  	s31 =	sshll.u32 s1, $0xD;
	s1 =	sshrl.u32 s1, $0x2  }
0xb9: {  	s3 =	sand.u32 $0x4000, s31;
	s1 =	sadd.s32 s1, s30  }
0xba: {  	s0 =	sor.u32 s3, s0;
	s1 =	sshll.u32 s1, $0x11  }
0xbb: {  	s0 =	sor.u32 s1, s0  }
0xbc: {  	s0 =	sadd.s32 $0x8F2B, s0  }
0xbd: {  	[sflag:s0] =	ssyncadd.remote.s32 $0x1  }
0xbe: {  	_ =	sfence.sel $0xFFFF  }
0xbf: {  	[dreg:$0x0] =	wrdreg $0xFFFFFFFF;
	(pc) =	sbr.abs _section_cstart, $3  }
0xc0: {  	[dreg:$0x1] =	wrdreg $0xFFFFFFFF  }
0xc1: {  	_ =	task.clear_ibuf [dreg:s7], $0x2FFFF;
	_ =	strace $0x9FFFFFFF  }
0xc2: {  	(tm) =	ssettm $0x7FFFFFFF  }
0xc3: {  	_ =	shalt  }
tec
execute0_lowered:
.L_overlay_start_1:
0x0: {  	(tag) =	ssettag $0x1  }
0x1: {  	s1 =	srdreg.scid  }
0x2: {  	s0 =	stileid.u32;
	s5 =	rddreg [dreg:$0x0]  }
0x3: {  	s4 =	rddreg [dreg:$0x1];
	s2 =	simm.s32 $0x0;
	s12 =	simm.s32 $0x5200  }
0x4: {  	s13 =	simm.s32 $0xA400;
	s14 =	simm.s32 $0xCC00;
	s15 =	simm.s32 $0x0  }
0x5: {  	s3 =	sand.u32 $0x1, s1;
	s28 =	sshll.u32 s0, $0x1;
	s1 =	rddreg [dreg:$0x2]  }
0x6: {  	[smem:$0x7FF] =	sst s2;
	p0 =	sgt.u32 s0, $0xB;
	s6 =	sor.u32 s3, s28  }
0x7: {  	_ =	strace $0x80000047;
	s9 =	ssub.s32 $0x2, s3;
	s7 =	smul.u32 $0x4E00, s6  }
0x8: {  	s8 =	smul.u32 $0x500, s6;
	s30 =	sshrl.u32 s9, $0x1;
	s6 =	sshll.u32 s6, $0x4  }
0x9: {  	s11 =	ssub.s32 s9, s30;
	s31 =	sadd.s32 s5, s6;
	s29 =	sshrl.u32 s7, $0x3  }
0xa: {  	s10 =	sadd.s32 s8, s4;
	s6 =	sadd.s32 $0x13680, s31;
	s7 =	sadd.s32 $0x26F00, s31  }
0xb: {  	s3 =	sadd.s32 s5, s29;
	s5 =	simm.s32 $0x4E80;
	s8 =	sadd.s32 $0x2400, s10  }
0xc: {  	s9 =	sadd.s32 $0xC400, s10;
	s10 =	smax.u32 s11, $0x1;
	s11 =	simm.s32 $0x1  }
0xd: {  	v0 =	vimm.f32 $0.0e+00;
	v1 =	vimm.f32 $1.000000000e+00;
	s4 =	sadd.s32 $0x13880, s3;
	s5 =	simm.s32 @!p0 $0x4E00;
	p0 =	slt.u32 s0, $0xC  }
.LBB2_1:
0xe: {  	[tilespmem:s2], [sflag:$0x1] =	stream.linear.gather [hbm4b:s3+s2], $0x4E00, $0x38;
	[tilespmem:$0xF400] =	vst v63  }
0xf: {  	_ =	swait.ge [sflag:s11], $0x4E00  }
0x10: {  	[sflag:s11] =	ssyncset.done $0x0  }
0x11: {  	[sflag:s11] =	ssyncadd.s32 $0xFFFFB200  }
0x12: {  	[tilespmem:s12], [sflag:$0x1] =	stream.linear.gather [hbm4b:s4+s2], $0x4E00, $0x38;
	[tilespmem:$0xF400] =	vst v63  }
0x13: {  	_ =	swait.ge [sflag:s11], $0x4E00  }
0x14: {  	[sflag:s11] =	ssyncset.done $0x0  }
0x15: {  	s16 =	simm.s32 @!p0 $0x0;
	s17 =	simm.s32 @!p0 $0x4E00;
	[sflag:s11] =	ssyncadd.s32 $0xFFFFB200  }
0x16: {  	[tilespmem:s17], [sflag:$0x1] =	stream.linear.gather @!p0 [hbm4b:s6+s16], $0x80, $0x38;
	[tilespmem:$0xF400] =	vst v63  }
0x17: {  	s17 =	simm.s32 @!p0 $0x1  }
0x18: {  	_ =	swait.ge @!p0 [sflag:s17], $0x80  }
0x19: {  	[sflag:s17] =	ssyncset.done @!p0 $0x0  }
0x1a: {  	s18 =	simm.s32 @!p0 $0xA000;
	[sflag:s17] =	ssyncadd.s32 @!p0 $0xFFFFFF80  }
0x1b: {  	[tilespmem:s18], [sflag:$0x1] =	stream.linear.gather @!p0 [hbm4b:s7+s16], $0x80, $0x38;
	[tilespmem:$0xF400] =	vst v63  }
0x1c: {  	_ =	swait.ge @!p0 [sflag:s17], $0x80  }
0x1d: {  	[sflag:s17] =	ssyncset.done @!p0 $0x0  }
0x1e: {  	s16 =	simm.s32 $0x0;
	[sflag:s17] =	ssyncadd.s32 @!p0 $0xFFFFFF80  }
.LBB2_2:
0x1f: {  	p1 =	sne.s32 s16, $0x9FC0  }
.Ltmp0:
0x20: {  	_ = 	snop;
	(pc) =	sbr.rel @p1 .LBB2_2-.Ltmp0, $4  }
0x21: {  	_ = 	snop  }
0x22: {  	s17 =	sshra.s32 s16, $0x2  }
0x23: {  	[tilespmem:s17+$0xA400] =	vst v0  }
0x24: {  	s16 =	sadd.s32 $0x40, s16;
	[tilespmem:s17+$0xCC00] =	vst v0  }
0x25: {  	s16 =	simm.s32 $0x0  }
0x26: {  	s17 =	sand.u32 $0x30, s16;
	s16 =	sand.u32 $0xFFFFFF80, s16  }
0x27: {  	s17 =	sor.u32 s17, s16  }
0x28: {  	v2 =	vld [tilespmem:s17+$0x0]  }
0x29: {  	v3 =	vld [tilespmem:s17+$0x5200]  }
0x2a: {  	p1 =	sne.s32 s5, $0x20  }
.Ltmp1:
0x2b: {  	_ = 	snop;
	(pc) =	sbr.rel @!p1 .LBB2_5-.Ltmp1, $2  }
0x2c: {  	_ =	sdelay $0x2  }
0x2d: {  	s16 =	simm.s32 $0x20;
	s17 =	simm.s32 $0x10  }
.LBB2_4:
0x2e: {  	s18 =	sand.u32 $0x30, s17;
	s19 =	sand.u32 $0xFFFFFF80, s16;
	[tilespmem:v2+s13+$0x0] =	vst.idx.add.f32.msk $0xffff, v1  }
0x2f: {  	s16 =	sadd.s32 $0x20, s16;
	s18 =	sor.u32 s18, s19;
	[tilespmem:v3+s14+$0x0] =	vst.idx.add.f32.msk $0xffff, v1  }
0x30: {  	p1 =	sne.s32 s5, s16;
	v2 =	vld [tilespmem:s18+$0x0]  }
0x31: {  	v3 =	vld [tilespmem:s18+$0x5200];
	_ =	sdelay $0x1  }
.Ltmp2:
0x32: {  	(pc) =	sbr.rel @p1 .LBB2_4-.Ltmp2, $2  }
0x33: {  	_ =	sdelay $0x2  }
0x34: {  	s17 =	sadd.s32 $0x10, s17  }
.LBB2_5:
0x35: {  	_ =	sdelay $0x3  }
0x36: {  	[tilespmem:v2+s13+$0x0] =	vst.idx.add.f32.msk $0xffff, v1  }
0x37: {  	[tilespmem:v3+s14+$0x0] =	vst.idx.add.f32.msk $0xffff, v1  }
0x38: {  	[hbm4b:s8+s2] =	stream.linear.scatter [tilespmem:s13], [sflag:$0x1], $0x2800, $0x38;
	[tilespmem:$0xF400] =	vst v63  }
0x39: {  	s15 =	sadd.s32 $0x1, s15;
	_ =	swait.ge [sflag:s11], $0x2800  }
0x3a: {  	p1 =	sne.s32 s15, s10;
	[sflag:s11] =	ssyncset.done $0x0  }
.Ltmp3:
0x3b: {  	[sflag:s11] =	ssyncadd.s32 $0xFFFFD800;
	(pc) =	sbr.rel @p1 .LBB2_1-.Ltmp3, $4  }
0x3c: {  	[hbm4b:s9+s2] =	stream.linear.scatter [tilespmem:s14], [sflag:$0x1], $0x2800, $0x38;
	[tilespmem:$0xF400] =	vst v63  }
0x3d: {  	_ =	swait.ge [sflag:s11], $0x2800  }
0x3e: {  	[sflag:s11] =	ssyncset.done $0x0  }
0x3f: {  	[sflag:s11] =	ssyncadd.s32 $0xFFFFD800  }
0x40: {  	_ =	sfence.sel $0x180000  }
0x41: {  	[bflag:$0x0] =	sbarrier.arrive $0xFFFF  }
0x42: {  	p0 =	sne.s32 s0, $0x0;
	_ =	strace $0x90000047  }
0x43: {  	s0 =	sadd.s32 @!p0 $0x100000, s1;
	[bflag:$0x2] =	sbarrier.arrive $0xFFFF  }
0x44: {  	[sflag:s0] =	ssyncadd.tile.s32 @!p0 $0x1;
	_ =	shalt  }
.Lfunc_end2:
_tile_overlayer_lowered:
.L_overlay_start_2:
0x45: {  	(tag) =	ssettag $0x2  }
0x46: {  	s0 =	rddreg [dreg:$0x0];
	s2 =	stileid.u32  }
0x47: {  	s1 =	rddreg [dreg:$0x1];
	p0 =	sne.s32 s2, $0x0  }
0x48: {  	s3 =	rddreg [dreg:$0x2];
	[bflag:$0x3] =	sbarrier.arrive $0xFFFF;
	s2 =	simm.s32 @!p0 $0x1C01  }
0x49: {  	[timem:s3], [sflag:s2] =	dma.local @!p0 [hbm:s0], s1  }
0x4a: {  	s0 =	simm.s32 @!p0 $0x1  }
0x4b: {  	_ =	swait.ge @!p0 [sflag:s0], s1  }
0x4c: {  	s1 =	ssub.s32 @!p0 $0x0, s1;
	[sflag:s0] =	ssyncset.done @!p0 $0x0  }
0x4d: {  	[sflag:s0] =	ssyncadd.s32 @!p0 s1  }
0x4e: {  	[bflag:$0x3] =	sbarrier.arrive $0xFFFF  }
0x4f: {  	_ =	shalt  }

// kernel: kernel.9.cloned.1.call-start
scs
__scs_entry_jumppad:
0x0: {  	(pc) =	sbr.rel $0x88, $3  }
0x1: {  	(tag) =	ssettag $0x0;
	lr =	simm.s32 $0x1  }
0x2: {  	[smem:$0x3F9B] =	sst lr;
	_ =	strace $0xD0000000  }
0x3: {  	_ = 	snop  }
0x4: {  	_ = 	snop  }
0x5: {  	_ = 	snop  }
0x6: {  	_ = 	snop  }
0x7: {  	_ = 	snop  }
__scs_overlays_trampoline_lowered:
0x8: {  	[smem:$0x3FAA] =	sst s0  }
0x9: {  	[smem:$0x3FAB] =	sst s1  }
0xa: {  	[smem:$0x3FAC] =	sst s2  }
0xb: {  	[smem:$0x3FAD] =	sst s3  }
0xc: {  	[smem:$0x3FAE] =	sst s4  }
0xd: {  	[smem:$0x3FAF] =	sst s5  }
0xe: {  	[smem:$0x3FB0] =	sst s6  }
0xf: {  	[smem:$0x3FB1] =	sst s7  }
0x10: {  	[smem:$0x3FB2] =	sst s8  }
0x11: {  	[smem:$0x3FB3] =	sst s9;
	s0 =	simm.s32 @!p0 $0x0  }
0x12: {  	s1 =	sld [smem:$0x3F99];
	s0 =	simm.s32 @p0 $0x1  }
0x13: {  	[smem:$0x3FB4] =	sst s0;
	s0 =	simm.s32 @!p1 $0x0  }
0x14: {  	s2 =	sld [smem:$0x3F98];
	s0 =	simm.s32 @p1 $0x1  }
0x15: {  	[smem:$0x3FB5] =	sst s0;
	s0 =	simm.s32 @!p2 $0x0  }
0x16: {  	s3 =	sld [smem:$0x3FDB];
	s0 =	simm.s32 @p2 $0x1  }
0x17: {  	s4 =	simm.s32 $0x1BF5;
	[smem:$0x3FB7] =	sst s0  }
0x18: {  	s0 =	sld [smem:$0x3F9A];
	_ =	swait.ge [sflag:s4], $0x0  }
0x19: {  	s7 =	sld [smem:$0x3F9B]  }
0x1a: {  	s8 =	sadd.s32 $0xFFFFE003, lr  }
0x1b: {  	s9 =	sadd.s32 $0xFFFFFEF7, lr;
	s5 =	simm.s32 $0xFFFFFFFF;
	p2 =	slt.u32 s8, $0xFFFFF086  }
0x1c: {  	p1 =	slt.u32 s9, $0xF7A;
	s5 =	simm.s32 @!p2 $0x0  }
0x1d: {  	s5 =	simm.s32 @p1 $0x1;
	p0 =	seq.s32 s7, s2  }
0x1e: {  	s7 =	smul.u32 @!p0 $0xF7A, s2;
	p2 =	seq.s32 @!p0 s5, $0x0  }
0x1f: {  	s9 =	smul.u32 $0xF7A, s1;
	s8 =	simm.s32 @!p0 $0x1BF5;
	p2 =	por !p2, p0  }
0x20: {  	[sflag:s8] =	ssyncset.s32 @!p0 $0xFFFFF086;
	s6 =	sadd.s32 @!p0 s3, s7;
	s7 =	simm.s32 @!p0 $0x108  }
0x21: {  	s3 =	sadd.s32 s3, s9;
	s6 =	sadd.s32 @!p0 $0x88, s6;
	s7 =	simm.s32 @p2 $0x1082  }
0x22: {  	[simem:s7], [sflag:s8] =	dma.local @!p0 [hbm:s6], $0xF7A  }
0x23: {  	s9 =	sor.u32 $0xD0000000, s2;
	s6 =	simm.s32 $0x108;
	_ =	swait.ge @!p0 [sflag:s8], $0x0  }
0x24: {  	s3 =	sadd.s32 $0x88, s3;
	s6 =	simm.s32 @!p1 $0x1082;
	[sflag:s4] =	ssyncset.s32 $0xFFFFF086  }
0x25: {  	[simem:s6], [sflag:s4] =	dma.local [hbm:s3], $0xF7A  }
0x26: {  	[smem:$0x3F9B] =	sst s1;
	(tag) =	ssettag s2;
	_ =	strace s9  }
0x27: {  	s1 =	sld [smem:$0x3FAB]  }
0x28: {  	s2 =	sld [smem:$0x3FAC]  }
0x29: {  	s4 =	sld [smem:$0x3FAE]  }
0x2a: {  	p0 =	seq.s32 s5, $0x0;
	s5 =	sld [smem:$0x3FAF]  }
0x2b: {  	s6 =	sld [smem:$0x3FB0]  }
0x2c: {  	s7 =	sld [smem:$0x3FB1]  }
0x2d: {  	s3 =	simm.s32 $0x108;
	s8 =	sld [smem:$0x3FB2]  }
0x2e: {  	s3 =	simm.s32 @!p0 $0x1082;
	s9 =	sld [smem:$0x3FB3]  }
0x2f: {  	lr =	sadd.s32 s0, s3;
	s0 =	sld [smem:$0x3FAA]  }
0x30: {  	s3 =	sld [smem:$0x3FAD]  }
0x31: {  	[smem:$0x3FB6] =	sst s10  }
0x32: {  	s10 =	sld [smem:$0x3FB4];
	_ =	sdelay $0x3  }
0x33: {  	p0 =	seq.s32 s10, $0x1;
	s10 =	sld [smem:$0x3FB6];
	_ =	sdelay $0x3  }
0x34: {  	[smem:$0x3FB6] =	sst s10  }
0x35: {  	s10 =	sld [smem:$0x3FB5];
	_ =	sdelay $0x3  }
0x36: {  	p1 =	seq.s32 s10, $0x1;
	s10 =	sld [smem:$0x3FB6];
	_ =	sdelay $0x3  }
0x37: {  	[smem:$0x3FB6] =	sst s10  }
0x38: {  	s10 =	sld [smem:$0x3FB7]  }
0x39: {  	_ = 	snop;
	(pc) =	sbr.ind lr, $3  }
0x3a: {  	_ = 	snop  }
0x3b: {  	_ = 	snop  }
0x3c: {  	p2 =	seq.s32 s10, $0x1;
	s10 =	sld [smem:$0x3FB6]  }
0x3d: {  	_ =	shalt  }
0x3e: {  	_ =	shalt  }
0x3f: {  	_ =	shalt  }
0x40: {  	_ =	shalt  }
0x41: {  	_ =	shalt  }
0x42: {  	_ =	shalt  }
0x43: {  	_ =	shalt  }
0x44: {  	_ =	shalt  }
0x45: {  	_ =	shalt  }
0x46: {  	_ =	shalt  }
0x47: {  	_ =	shalt  }
0x48: {  	_ =	shalt  }
0x49: {  	_ =	shalt  }
0x4a: {  	_ =	shalt  }
0x4b: {  	_ =	shalt  }
0x4c: {  	_ =	shalt  }
0x4d: {  	_ =	shalt  }
0x4e: {  	_ =	shalt  }
0x4f: {  	_ =	shalt  }
0x50: {  	_ =	shalt  }
0x51: {  	_ =	shalt  }
0x52: {  	_ =	shalt  }
0x53: {  	_ =	shalt  }
0x54: {  	_ =	shalt  }
0x55: {  	_ =	shalt  }
0x56: {  	_ =	shalt  }
0x57: {  	_ =	shalt  }
0x58: {  	_ =	shalt  }
0x59: {  	_ =	shalt  }
0x5a: {  	_ =	shalt  }
0x5b: {  	_ =	shalt  }
0x5c: {  	_ =	shalt  }
0x5d: {  	_ =	shalt  }
0x5e: {  	_ =	shalt  }
0x5f: {  	_ =	shalt  }
0x60: {  	_ =	shalt  }
0x61: {  	_ =	shalt  }
0x62: {  	_ =	shalt  }
0x63: {  	_ =	shalt  }
0x64: {  	_ =	shalt  }
0x65: {  	_ =	shalt  }
0x66: {  	_ =	shalt  }
0x67: {  	_ =	shalt  }
0x68: {  	_ =	shalt  }
0x69: {  	_ =	shalt  }
0x6a: {  	_ =	shalt  }
0x6b: {  	_ =	shalt  }
0x6c: {  	_ =	shalt  }
0x6d: {  	_ =	shalt  }
0x6e: {  	_ =	shalt  }
0x6f: {  	_ =	shalt  }
0x70: {  	_ =	shalt  }
0x71: {  	_ =	shalt  }
0x72: {  	_ =	shalt  }
0x73: {  	_ =	shalt  }
0x74: {  	_ =	shalt  }
0x75: {  	_ =	shalt  }
0x76: {  	_ =	shalt  }
0x77: {  	_ =	shalt  }
0x78: {  	_ =	shalt  }
0x79: {  	_ =	shalt  }
0x7a: {  	_ =	shalt  }
0x7b: {  	_ =	shalt  }
0x7c: {  	_ =	shalt  }
0x7d: {  	_ =	shalt  }
0x7e: {  	_ =	shalt  }
0x7f: {  	_ =	shalt  }
0x80: {  	_ =	shalt  }
0x81: {  	_ =	shalt  }
0x82: {  	_ =	shalt  }
0x83: {  	_ =	shalt  }
0x84: {  	_ =	shalt  }
0x85: {  	_ =	shalt  }
0x86: {  	_ =	shalt  }
0x87: {  	_ =	shalt  }
.Lfunc_end0:
.L_simem_size_0:
called_computation.1_lowered:
.L_overlay_start_0:
0x88: {  	s2 =	sld [smem:$0x3FD9]  }
0x89: {  	s3 =	sld [smem:$0x3FFE];
	_ =	sdelay $0x1  }
0x8a: {  	s1 =	srdreg.scid  }
0x8b: {  	s0 =	sand.u32 $0x1, s1  }
0x8c: {  	s17 =	sshll.u32 s0, $0xA;
	s2 =	sadd.s32 s3, s2  }
0x8d: {  	s2 =	sadd.s32 s2, s17  }
0x8e: {  	[smem:$0x3FC2] =	sst s2  }
0x8f: {  	_ = 	snop  }
0x90: {  	s2 =	sld [smem:$0x3FD0];
	(tm) =	ssettm $0x1  }
0x91: {  	s18 =	sld [smem:$0x3FFB];
	_ =	sdelay $0x3  }
0x92: {  	_ =	strace s18  }
0x93: {  	s3 =	sld [smem:$0x3FFC];
	_ =	sdelay $0x3  }
0x94: {  	_ =	strace s3  }
0x95: {  	s3 =	sld [smem:$0x3FFD];
	_ =	sdelay $0x3  }
0x96: {  	_ =	strace s3  }
0x97: {  	_ =	strace $0x8FFFFFFF  }
0x98: {  	s19 =	sld [smem:$0x3FDB];
	_ =	sdelay $0x1  }
0x99: {  	s4 =	simm.s32 $_scs_section_size  }
0x9a: {  	s5 =	simm.s32 $_size__tile_overlayer_lowered;
	s6 =	simm.s32 $_tile_overlayer_lowered  }
0x9b: {  	s22 =	simm.s32 $0x1BFF;
	s21 =	sshll.u32 s6, $0x1;
	s3 =	sadd.s32 s4, s19  }
0x9c: {  	s7 =	simm.s32 $0x0;
	s20 =	sshll.u32 s5, $0x1;
	s5 =	sadd.s32 s21, s3  }
0x9d: {  	[timem:s7], [sflag:s22] =	dma.local [hbm:s5], s20  }
0x9e: {  	_ =	swait.ge [sflag:s22], s20  }
0x9f: {  	s4 =	ssub.s32 $0x0, s20;
	[sflag:s22] =	ssyncset.done $0x0  }
0xa0: {  	[sflag:s22] =	ssyncadd.s32 s4;
	_ =	sdelay $0x1  }
0xa1: {  	s23 =	simm.s32 $0x1B8B  }
0xa2: {  	_ =	swait.ge [sflag:s23], $0x1  }
0xa3: {  	[sflag:s23] =	ssyncset.done $0x0  }
0xa4: {  	s25 =	simm.s32 $0x1B8E;
	s24 =	sld [smem:$0x3FFE];
	[sflag:s23] =	ssyncadd.s32 $0xFFFFFFFF  }
0xa5: {  	s26 =	simm.s32 $execute0_lowered;
	[smem:$0x3FD2] =	sst s25  }
0xa6: {  	s5 =	sshll.u32 s26, $0x1;
	_ =	strace $0x80000049;
	[dreg:$0x1] =	wrdreg $0xFFFFFFFF  }
0xa7: {  	s28 =	simm.s32 $_size_execute0_lowered;
	s3 =	sadd.s32 s3, s5;
	[dreg:$0x0] =	wrdreg $0x0  }
0xa8: {  	s5 =	sshll.u32 s28, $0x1;
	[dreg:$0x2] =	wrdreg s3  }
0xa9: {  	[dreg:$0x3] =	wrdreg s5  }
0xaa: {  	[dreg:$0x4] =	wrdreg $0xC0  }
0xab: {  	_ =	task [dreg:s7], $0x5FFFF  }
0xac: {  	[dreg:$0x1] =	wrdreg $0xFFFFFFFF  }
0xad: {  	[dreg:$0x0] =	wrdreg $0x60  }
0xae: {  	[dreg:$0x2] =	wrdreg s24  }
0xaf: {  	[dreg:$0x3] =	wrdreg s2  }
0xb0: {  	[dreg:$0x4] =	wrdreg $0xB4000  }
0xb1: {  	[dreg:$0x5] =	wrdreg $0x9  }
0xb2: {  	_ =	task.clear_ibuf [dreg:s7], $0x6FFFF;
	_ =	strace $0x90000049  }
0xb3: {  	s29 =	simm.s32 $0x9;
	_ =	strace $0x8000004B  }
0xb4: {  	_ =	swait.ge [sflag:s29], $0x1  }
0xb5: {  	[sflag:s29] =	ssyncadd.s32 $0xFFFFFFFF  }
0xb6: {  	_ =	strace $0x9000004B  }
0xb7: {  	_ =	sfence  }
0xb8: {  	s30 =	sld [smem:$0x0];
	_ =	sdelay $0x2  }
0xb9: {  	s31 =	sshll.u32 s1, $0xD;
	s1 =	sshrl.u32 s1, $0x2  }
0xba: {  	s3 =	sand.u32 $0x4000, s31;
	s1 =	sadd.s32 s1, s30  }
0xbb: {  	s0 =	sor.u32 s3, s0;
	s1 =	sshll.u32 s1, $0x11  }
0xbc: {  	s0 =	sor.u32 s1, s0  }
0xbd: {  	s0 =	sadd.s32 $0x8F2B, s0  }
0xbe: {  	[sflag:s0] =	ssyncadd.remote.s32 $0x1  }
0xbf: {  	_ =	sfence.sel $0xFFFF  }
0xc0: {  	[dreg:$0x0] =	wrdreg $0xFFFFFFFF;
	(pc) =	sbr.abs _section_cstart, $3  }
0xc1: {  	[dreg:$0x1] =	wrdreg $0xFFFFFFFF  }
0xc2: {  	_ =	task.clear_ibuf [dreg:s7], $0x2FFFF;
	_ =	strace $0x9FFFFFFF  }
0xc3: {  	(tm) =	ssettm $0x7FFFFFFF  }
tec
execute0_lowered:
.L_overlay_start_1:
0x0: {  	(tag) =	ssettag $0x1  }
0x1: {  	s0 =	rddreg [dreg:$0x0]  }
0x2: {  	s9 =	rddreg [dreg:$0x1];
	s1 =	srdreg.scid  }
0x3: {  	s3 =	rddreg [dreg:$0x2];
	s8 =	stileid.u32  }
0x4: {  	s10 =	simm.s32 $0x0;
	s28 =	simm.s32 $0x5400;
	s30 =	simm.s32 $0x7400  }
0x5: {  	s31 =	simm.s32 $0x1;
	s29 =	simm.s32 $0x3380;
	s4 =	smul.u32 $0x14000, s8  }
0x6: {  	s1 =	sand.u32 $0x1, s1;
	[smem:$0x7FF] =	sst s10;
	s6 =	smul.u32 $0x50000, s8  }
0x7: {  	s5 =	sadd.s32 $0x16400, s0;
	s17 =	sshll.u32 s8, $0x1;
	p0 =	slt.u32 s8, $0xC  }
0x8: {  	s2 =	smul.u32 $0x140000, s1;
	_ =	strace $0x8000004A;
	s11 =	ssub.s32 $0x2, s1  }
0x9: {  	s1 =	sor.u32 s1, s17;
	s17 =	sadd.s32 $0x13880, s9;
	s6 =	sshrl.u32 s6, $0x2  }
0xa: {  	s7 =	sshrl.u32 s11, $0x1;
	s21 =	sshll.u32 s1, $0x4;
	s12 =	sadd.s32 s6, s3  }
0xb: {  	s2 =	sadd.s32 s4, s2;
	s14 =	sadd.s32 $0x2000, s12;
	[dreg:$0x5] =	wrdreg s12  }
0xc: {  	s13 =	ssub.s32 s11, s7;
	s15 =	sadd.s32 $0x4000, s12;
	[dreg:$0x6] =	wrdreg s14  }
0xd: {  	s4 =	sadd.s32 s9, s21;
	s16 =	sadd.s32 $0x6000, s12;
	[dreg:$0x7] =	wrdreg s15  }
0xe: {  	s7 =	simm.s32 $0x2;
	s6 =	sadd.s32 $0x8000, s12;
	[dreg:$0x8] =	wrdreg s16  }
0xf: {  	s9 =	simm.s32 $0x5;
	s18 =	sadd.s32 $0xA000, s12;
	[dreg:$0x9] =	wrdreg s6  }
0x10: {  	s11 =	simm.s32 $0x3;
	s19 =	sadd.s32 $0xC000, s12;
	[dreg:$0xa] =	wrdreg s18  }
0x11: {  	s21 =	simm.s32 $0x1900;
	s20 =	sadd.s32 $0xE000, s12;
	[dreg:$0xb] =	wrdreg s19  }
0x12: {  	s2 =	sshrl.u32 s2, $0x3;
	s22 =	sadd.s32 $0x10000, s12;
	[dreg:$0xc] =	wrdreg s20  }
0x13: {  	s23 =	sadd.s32 $0x12000, s12;
	s24 =	sadd.s32 $0x13680, s4;
	[dreg:$0xd] =	wrdreg s22  }
0x14: {  	s25 =	sadd.s32 $0x26F00, s4;
	s26 =	smax.u32 s13, $0x1;
	[dreg:$0xe] =	wrdreg s23  }
0x15: {  	s13 =	simm.s32 $0x6;
	s4 =	simm.s32 $0x1980;
	[dreg:$0xf] =	wrdreg s24  }
0x16: {  	s0 =	sadd.s32 s2, s0;
	s16 =	smul.u32 $0x9C, s1;
	[dreg:$0x10] =	wrdreg s25  }
0x17: {  	[dreg:$0x12] =	wrdreg s26;
	s22 =	simm.s32 $0x3400;
	s23 =	simm.s32 $0x9  }
0x18: {  	s24 =	simm.s32 $0x1A00;
	s25 =	simm.s32 $0x40;
	s1 =	simm.s32 $0x9400  }
0x19: {  	s15 =	simm.s32 $0x4;
	s18 =	simm.s32 $0x1B80;
	s19 =	simm.s32 $0x7  }
0x1a: {  	s20 =	simm.s32 $0x8;
	s6 =	simm.s32 $0x3200;
	s0 =	sadd.s32 $0x3E400, s0  }
0x1b: {  	v0 =	vimm.f32 $0.0e+00;
	s2 =	simm.s32 $0x3280;
	s26 =	simm.s32 $0x3300;
	[dreg:$0x11] =	wrdreg s0  }
.LBB2_1:
0x1c: {  	s0 =	simm.s32 $0x0;
	s8 =	simm.s32 $0x200  }
.LBB2_2:
0x1d: {  	p1 =	sne.s32 s8, $0x7E00;
	[tilespmem:s0+$0x3470] =	vst v0  }
0x1e: {  	[tilespmem:s0+$0x3400] =	vst v0  }
0x1f: {  	[tilespmem:s0+$0x3410] =	vst v0  }
.Ltmp0:
0x20: {  	[tilespmem:s0+$0x3420] =	vst v0;
	(pc) =	sbr.rel @p1 .LBB2_2-.Ltmp0, $4  }
0x21: {  	[tilespmem:s0+$0x3430] =	vst v0  }
0x22: {  	[tilespmem:s0+$0x3440] =	vst v0  }
0x23: {  	[tilespmem:s0+$0x3450] =	vst v0  }
0x24: {  	[tilespmem:s0+$0x3460] =	vst v0;
	s0 =	sshra.s32 s8, $0x2;
	s8 =	sadd.s32 $0x200, s8  }
0x25: {  	[tilespmem:s0+$0x3470] =	vst v0  }
0x26: {  	[tilespmem:s0+$0x3400] =	vst v0  }
0x27: {  	[tilespmem:s0+$0x3410] =	vst v0  }
0x28: {  	[tilespmem:s0+$0x3420] =	vst v0  }
0x29: {  	[tilespmem:s0+$0x3430] =	vst v0  }
0x2a: {  	[tilespmem:s0+$0x3440] =	vst v0  }
0x2b: {  	[tilespmem:s0+$0x3450] =	vst v0  }
0x2c: {  	[dreg:$0x4] =	wrdreg s10;
	[tilespmem:s0+$0x3460] =	vst v0  }
0x2d: {  	[spmem:s12] =	stream.linear.scatter [tilespmem:s22], [sflag:$0x9], $0x2000, $0x38;
	[tilespmem:$0x1F400] =	vst v63  }
0x2e: {  	_ =	swait.ge [sflag:s23], $0x2000  }
0x2f: {  	[sflag:s23] =	ssyncset.done $0x0  }
0x30: {  	s14 =	rddreg [dreg:$0x6];
	[sflag:s23] =	ssyncadd.s32 $0xFFFFE000  }
0x31: {  	[spmem:s14] =	stream.linear.scatter [tilespmem:s22], [sflag:$0x9], $0x2000, $0x38;
	[tilespmem:$0x1F400] =	vst v63  }
0x32: {  	_ =	swait.ge [sflag:s23], $0x2000  }
0x33: {  	[sflag:s23] =	ssyncset.done $0x0  }
0x34: {  	s8 =	rddreg [dreg:$0x7];
	[sflag:s23] =	ssyncadd.s32 $0xFFFFE000  }
0x35: {  	[spmem:s8] =	stream.linear.scatter [tilespmem:s22], [sflag:$0x9], $0x2000, $0x38;
	[tilespmem:$0x1F400] =	vst v63  }
0x36: {  	_ =	swait.ge [sflag:s23], $0x2000  }
0x37: {  	[sflag:s23] =	ssyncset.done $0x0  }
0x38: {  	s10 =	rddreg [dreg:$0x8];
	[sflag:s23] =	ssyncadd.s32 $0xFFFFE000  }
0x39: {  	[spmem:s10] =	stream.linear.scatter [tilespmem:s22], [sflag:$0x9], $0x2000, $0x38;
	[tilespmem:$0x1F400] =	vst v63  }
0x3a: {  	_ =	swait.ge [sflag:s23], $0x2000  }
0x3b: {  	[sflag:s23] =	ssyncset.done $0x0  }
0x3c: {  	s12 =	rddreg [dreg:$0x9];
	[sflag:s23] =	ssyncadd.s32 $0xFFFFE000  }
0x3d: {  	[spmem:s12] =	stream.linear.scatter [tilespmem:s22], [sflag:$0x9], $0x2000, $0x38;
	[tilespmem:$0x1F400] =	vst v63  }
0x3e: {  	_ =	swait.ge [sflag:s23], $0x2000  }
0x3f: {  	[sflag:s23] =	ssyncset.done $0x0  }
0x40: {  	s14 =	rddreg [dreg:$0xa];
	[sflag:s23] =	ssyncadd.s32 $0xFFFFE000  }
0x41: {  	[spmem:s14] =	stream.linear.scatter [tilespmem:s22], [sflag:$0x9], $0x2000, $0x38;
	[tilespmem:$0x1F400] =	vst v63  }
0x42: {  	_ =	swait.ge [sflag:s23], $0x2000  }
0x43: {  	[sflag:s23] =	ssyncset.done $0x0  }
0x44: {  	s8 =	rddreg [dreg:$0xb];
	[sflag:s23] =	ssyncadd.s32 $0xFFFFE000  }
0x45: {  	[spmem:s8] =	stream.linear.scatter [tilespmem:s22], [sflag:$0x9], $0x2000, $0x38;
	[tilespmem:$0x1F400] =	vst v63  }
0x46: {  	_ =	swait.ge [sflag:s23], $0x2000  }
0x47: {  	[sflag:s23] =	ssyncset.done $0x0  }
0x48: {  	s10 =	rddreg [dreg:$0xc];
	[sflag:s23] =	ssyncadd.s32 $0xFFFFE000  }
0x49: {  	[spmem:s10] =	stream.linear.scatter [tilespmem:s22], [sflag:$0x9], $0x2000, $0x38;
	[tilespmem:$0x1F400] =	vst v63  }
0x4a: {  	_ =	swait.ge [sflag:s23], $0x2000  }
0x4b: {  	[sflag:s23] =	ssyncset.done $0x0  }
0x4c: {  	s12 =	rddreg [dreg:$0xd];
	[sflag:s23] =	ssyncadd.s32 $0xFFFFE000  }
0x4d: {  	[spmem:s12] =	stream.linear.scatter [tilespmem:s22], [sflag:$0x9], $0x2000, $0x38;
	[tilespmem:$0x1F400] =	vst v63  }
0x4e: {  	_ =	swait.ge [sflag:s23], $0x2000  }
0x4f: {  	[sflag:s23] =	ssyncset.done $0x0  }
0x50: {  	s14 =	rddreg [dreg:$0xe];
	[sflag:s23] =	ssyncadd.s32 $0xFFFFE000  }
0x51: {  	[spmem:s14] =	stream.linear.scatter [tilespmem:s22], [sflag:$0x9], $0x2000, $0x38;
	[tilespmem:$0x1F400] =	vst v63  }
0x52: {  	_ =	swait.ge [sflag:s23], $0x2000  }
0x53: {  	[sflag:s23] =	ssyncset.done $0x0  }
0x54: {  	[sflag:s23] =	ssyncadd.s32 $0xFFFFE000  }
0x55: {  	s0 =	simm.s32 $0x0;
	s8 =	simm.s32 $0x0;
	[bflag:$0x0] =	sbarrier.arrive $0xFFFF  }
.LBB2_4:
0x56: {  	s10 =	smul.u32 $0x34, s8;
	_ =	sdelay $0x1  }
0x57: {  	s10 =	sadd.s32 s16, s10  }
0x58: {  	s12 =	rddreg [dreg:$0x1];
	s10 =	sshll.u32 s10, $0x4  }
0x59: {  	s12 =	sadd.s32 s12, s10  }
0x5a: {  	[tilespmem:s0], [sflag:$0x9] =	stream.linear.gather [hbm4b:s12+s0], $0x1A00, $0x38;
	[tilespmem:$0x1F400] =	vst v63  }
0x5b: {  	_ =	swait.ge [sflag:s23], $0x1A00  }
0x5c: {  	[sflag:s23] =	ssyncset.done $0x0  }
0x5d: {  	s10 =	sadd.s32 s10, s17;
	[sflag:s23] =	ssyncadd.s32 $0xFFFFE600  }
0x5e: {  	[tilespmem:s24], [sflag:$0x9] =	stream.linear.gather [hbm4b:s10+s0], $0x1A00, $0x38;
	[tilespmem:$0x1F400] =	vst v63  }
0x5f: {  	_ =	swait.ge [sflag:s23], $0x1A00  }
0x60: {  	[sflag:s23] =	ssyncset.done $0x0  }
0x61: {  	[sflag:s23] =	ssyncadd.s32 $0xFFFFE600  }
0x62: {  	[tilespmem:s22], [sflag:$0x1] =	stream.indirect.gather [hbm4b:s5+s25], $0x80, s0, s25, $0xb8;
	[tilespmem:$0x1F400] =	vst v63  }
0x63: {  	s12 =	simm.s32 $0x80  }
0x64: {  	[tilespmem:s28], [sflag:$0x2] =	stream.indirect.gather [hbm4b:s5+s25], $0x80, s12, s25, $0xb8;
	[tilespmem:$0x1F400] =	vst v63  }
0x65: {  	s14 =	simm.s32 $0x100  }
0x66: {  	[tilespmem:s30], [sflag:$0x3] =	stream.indirect.gather [hbm4b:s5+s25], $0x80, s14, s25, $0xb8;
	[tilespmem:$0x1F400] =	vst v63  }
0x67: {  	_ =	swait.ge [sflag:s31], $0x2000  }
0x68: {  	[sflag:s31] =	ssyncset.done $0x0  }
0x69: {  	[sflag:s31] =	ssyncadd.s32 $0xFFFFE000  }
0x6a: {  	[spmem:s3] =	stream.indirect.scatter.add.f32 [tilespmem:s22], [sflag:$0x5], $0x80, s24, s25, $0xb8;
	[tilespmem:$0x1F400] =	vst v63  }
0x6b: {  	s12 =	simm.s32 $0x180  }
0x6c: {  	[tilespmem:s1], [sflag:$0x4] =	stream.indirect.gather [hbm4b:s5+s25], $0x80, s12, s25, $0xb8;
	[tilespmem:$0x1F400] =	vst v63  }
0x6d: {  	_ =	swait.ge [sflag:s7], $0x2000  }
0x6e: {  	[sflag:s7] =	ssyncset.done $0x0  }
0x6f: {  	s14 =	simm.s32 $0x1A80;
	[sflag:s7] =	ssyncadd.s32 $0xFFFFE000  }
0x70: {  	[spmem:s3] =	stream.indirect.scatter.add.f32 [tilespmem:s28], [sflag:$0x6], $0x80, s14, s25, $0xb8;
	[tilespmem:$0x1F400] =	vst v63  }
0x71: {  	_ =	swait.ge [sflag:s9], $0x2000  }
0x72: {  	[sflag:s9] =	ssyncset.done $0x0  }
0x73: {  	s12 =	simm.s32 $0x200;
	[sflag:s9] =	ssyncadd.s32 $0xFFFFE000  }
0x74: {  	[tilespmem:s22], [sflag:$0x1] =	stream.indirect.gather [hbm4b:s5+s25], $0x80, s12, s25, $0xb8;
	[tilespmem:$0x1F400] =	vst v63  }
0x75: {  	_ =	swait.ge [sflag:s11], $0x2000  }
0x76: {  	[sflag:s11] =	ssyncset.done $0x0  }
0x77: {  	s14 =	simm.s32 $0x1B00;
	[sflag:s11] =	ssyncadd.s32 $0xFFFFE000  }
0x78: {  	[spmem:s3] =	stream.indirect.scatter.add.f32 [tilespmem:s30], [sflag:$0x7], $0x80, s14, s25, $0xb8;
	[tilespmem:$0x1F400] =	vst v63  }
0x79: {  	_ =	swait.ge [sflag:s13], $0x2000  }
0x7a: {  	[sflag:s13] =	ssyncset.done $0x0  }
0x7b: {  	s12 =	simm.s32 $0x280;
	[sflag:s13] =	ssyncadd.s32 $0xFFFFE000  }
0x7c: {  	[tilespmem:s28], [sflag:$0x2] =	stream.indirect.gather [hbm4b:s5+s25], $0x80, s12, s25, $0xb8;
	[tilespmem:$0x1F400] =	vst v63  }
0x7d: {  	_ =	swait.ge [sflag:s15], $0x2000  }
0x7e: {  	[sflag:s15] =	ssyncset.done $0x0  }
0x7f: {  	[sflag:s15] =	ssyncadd.s32 $0xFFFFE000  }
0x80: {  	[spmem:s3] =	stream.indirect.scatter.add.f32 [tilespmem:s1], [sflag:$0x8], $0x80, s18, s25, $0xb8;
	[tilespmem:$0x1F400] =	vst v63  }
0x81: {  	_ =	swait.ge [sflag:s19], $0x2000  }
0x82: {  	[sflag:s19] =	ssyncset.done $0x0  }
0x83: {  	s14 =	simm.s32 $0x300;
	[sflag:s19] =	ssyncadd.s32 $0xFFFFE000  }
0x84: {  	[tilespmem:s30], [sflag:$0x3] =	stream.indirect.gather [hbm4b:s5+s25], $0x80, s14, s25, $0xb8;
	[tilespmem:$0x1F400] =	vst v63  }
0x85: {  	_ =	swait.ge [sflag:s31], $0x2000  }
0x86: {  	[sflag:s31] =	ssyncset.done $0x0  }
0x87: {  	s12 =	simm.s32 $0x1C00;
	[sflag:s31] =	ssyncadd.s32 $0xFFFFE000  }
0x88: {  	[spmem:s3] =	stream.indirect.scatter.add.f32 [tilespmem:s22], [sflag:$0x5], $0x80, s12, s25, $0xb8;
	[tilespmem:$0x1F400] =	vst v63  }
0x89: {  	_ =	swait.ge [sflag:s20], $0x2000  }
0x8a: {  	[sflag:s20] =	ssyncset.done $0x0  }
0x8b: {  	s14 =	simm.s32 $0x380;
	[sflag:s20] =	ssyncadd.s32 $0xFFFFE000  }
0x8c: {  	[tilespmem:s1], [sflag:$0x4] =	stream.indirect.gather [hbm4b:s5+s25], $0x80, s14, s25, $0xb8;
	[tilespmem:$0x1F400] =	vst v63  }
0x8d: {  	_ =	swait.ge [sflag:s7], $0x2000  }
0x8e: {  	[sflag:s7] =	ssyncset.done $0x0  }
0x8f: {  	s12 =	simm.s32 $0x1C80;
	[sflag:s7] =	ssyncadd.s32 $0xFFFFE000  }
0x90: {  	[spmem:s3] =	stream.indirect.scatter.add.f32 [tilespmem:s28], [sflag:$0x6], $0x80, s12, s25, $0xb8;
	[tilespmem:$0x1F400] =	vst v63  }
0x91: {  	_ =	swait.ge [sflag:s9], $0x2000  }
0x92: {  	[sflag:s9] =	ssyncset.done $0x0  }
0x93: {  	s14 =	simm.s32 $0x400;
	[sflag:s9] =	ssyncadd.s32 $0xFFFFE000  }
0x94: {  	[tilespmem:s22], [sflag:$0x1] =	stream.indirect.gather [hbm4b:s5+s25], $0x80, s14, s25, $0xb8;
	[tilespmem:$0x1F400] =	vst v63  }
0x95: {  	_ =	swait.ge [sflag:s11], $0x2000  }
0x96: {  	[sflag:s11] =	ssyncset.done $0x0  }
0x97: {  	s12 =	simm.s32 $0x1D00;
	[sflag:s11] =	ssyncadd.s32 $0xFFFFE000  }
0x98: {  	[spmem:s3] =	stream.indirect.scatter.add.f32 [tilespmem:s30], [sflag:$0x7], $0x80, s12, s25, $0xb8;
	[tilespmem:$0x1F400] =	vst v63  }
0x99: {  	_ =	swait.ge [sflag:s13], $0x2000  }
0x9a: {  	[sflag:s13] =	ssyncset.done $0x0  }
0x9b: {  	s14 =	simm.s32 $0x480;
	[sflag:s13] =	ssyncadd.s32 $0xFFFFE000  }
0x9c: {  	[tilespmem:s28], [sflag:$0x2] =	stream.indirect.gather [hbm4b:s5+s25], $0x80, s14, s25, $0xb8;
	[tilespmem:$0x1F400] =	vst v63  }
0x9d: {  	_ =	swait.ge [sflag:s15], $0x2000  }
0x9e: {  	[sflag:s15] =	ssyncset.done $0x0  }
0x9f: {  	s10 =	simm.s32 $0x800;
	s12 =	simm.s32 $0x1D80;
	[sflag:s15] =	ssyncadd.s32 $0xFFFFE000  }
.LBB2_5:
0xa0: {  	[spmem:s3] =	stream.indirect.scatter.add.f32 [tilespmem:s1], [sflag:$0x8], $0x80, s12, s25, $0xb8;
	[tilespmem:$0x1F400] =	vst v63  }
0xa1: {  	s12 =	smov.u32 s10  }
0xa2: {  	p1 =	sne.s32 s10, $0x5000;
	s10 =	sadd.s32 $0x800, s10;
	_ =	swait.ge [sflag:s19], $0x2000  }
0xa3: {  	s12 =	sshra.s32 s12, $0x2;
	[sflag:s19] =	ssyncset.done $0x0  }
0xa4: {  	s14 =	sadd.s32 $0x300, s12;
	[sflag:s19] =	ssyncadd.s32 $0xFFFFE000  }
0xa5: {  	[tilespmem:s30], [sflag:$0x3] =	stream.indirect.gather [hbm4b:s5+s25], $0x80, s14, s25, $0xb8;
	[tilespmem:$0x1F400] =	vst v63  }
0xa6: {  	_ =	swait.ge [sflag:s31], $0x2000  }
0xa7: {  	[sflag:s31] =	ssyncset.done $0x0  }
0xa8: {  	s14 =	sadd.s32 $0x1C00, s12;
	[sflag:s31] =	ssyncadd.s32 $0xFFFFE000  }
0xa9: {  	[spmem:s3] =	stream.indirect.scatter.add.f32 [tilespmem:s22], [sflag:$0x5], $0x80, s14, s25, $0xb8;
	[tilespmem:$0x1F400] =	vst v63  }
0xaa: {  	_ =	swait.ge [sflag:s20], $0x2000  }
0xab: {  	[sflag:s20] =	ssyncset.done $0x0  }
0xac: {  	s14 =	sadd.s32 $0x380, s12;
	[sflag:s20] =	ssyncadd.s32 $0xFFFFE000  }
0xad: {  	[tilespmem:s1], [sflag:$0x4] =	stream.indirect.gather [hbm4b:s5+s25], $0x80, s14, s25, $0xb8;
	[tilespmem:$0x1F400] =	vst v63  }
0xae: {  	_ =	swait.ge [sflag:s7], $0x2000  }
0xaf: {  	[sflag:s7] =	ssyncset.done $0x0  }
0xb0: {  	s14 =	sadd.s32 $0x1C80, s12;
	[sflag:s7] =	ssyncadd.s32 $0xFFFFE000  }
0xb1: {  	[spmem:s3] =	stream.indirect.scatter.add.f32 [tilespmem:s28], [sflag:$0x6], $0x80, s14, s25, $0xb8;
	[tilespmem:$0x1F400] =	vst v63  }
0xb2: {  	_ =	swait.ge [sflag:s9], $0x2000  }
0xb3: {  	[sflag:s9] =	ssyncset.done $0x0  }
0xb4: {  	s14 =	sadd.s32 $0x400, s12;
	[sflag:s9] =	ssyncadd.s32 $0xFFFFE000  }
0xb5: {  	[tilespmem:s22], [sflag:$0x1] =	stream.indirect.gather [hbm4b:s5+s25], $0x80, s14, s25, $0xb8;
	[tilespmem:$0x1F400] =	vst v63  }
0xb6: {  	_ =	swait.ge [sflag:s11], $0x2000  }
0xb7: {  	[sflag:s11] =	ssyncset.done $0x0  }
0xb8: {  	s14 =	sadd.s32 $0x1D00, s12;
	[sflag:s11] =	ssyncadd.s32 $0xFFFFE000  }
0xb9: {  	[spmem:s3] =	stream.indirect.scatter.add.f32 [tilespmem:s30], [sflag:$0x7], $0x80, s14, s25, $0xb8;
	[tilespmem:$0x1F400] =	vst v63  }
0xba: {  	_ =	swait.ge [sflag:s13], $0x2000  }
0xbb: {  	[sflag:s13] =	ssyncset.done $0x0  }
.Ltmp1:
0xbc: {  	s14 =	sadd.s32 $0x480, s12;
	[sflag:s13] =	ssyncadd.s32 $0xFFFFE000;
	(pc) =	sbr.rel @p1 .LBB2_5-.Ltmp1, $4  }
0xbd: {  	[tilespmem:s28], [sflag:$0x2] =	stream.indirect.gather [hbm4b:s5+s25], $0x80, s14, s25, $0xb8;
	[tilespmem:$0x1F400] =	vst v63  }
0xbe: {  	_ =	swait.ge [sflag:s15], $0x2000  }
0xbf: {  	[sflag:s15] =	ssyncset.done $0x0  }
0xc0: {  	s12 =	sadd.s32 $0x1D80, s12;
	[sflag:s15] =	ssyncadd.s32 $0xFFFFE000  }
0xc1: {  	[spmem:s3] =	stream.indirect.scatter.add.f32 [tilespmem:s1], [sflag:$0x8], $0x80, s12, s25, $0xb8;
	[tilespmem:$0x1F400] =	vst v63  }
0xc2: {  	_ =	swait.ge [sflag:s19], $0x2000  }
0xc3: {  	[sflag:s19] =	ssyncset.done $0x0  }
0xc4: {  	[sflag:s19] =	ssyncadd.s32 $0xFFFFE000  }
0xc5: {  	[tilespmem:s30], [sflag:$0x3] =	stream.indirect.gather [hbm4b:s5+s25], $0x80, s21, s25, $0xb8;
	[tilespmem:$0x1F400] =	vst v63  }
0xc6: {  	_ =	swait.ge [sflag:s31], $0x2000  }
0xc7: {  	[sflag:s31] =	ssyncset.done $0x0  }
0xc8: {  	[sflag:s31] =	ssyncadd.s32 $0xFFFFE000  }
0xc9: {  	[spmem:s3] =	stream.indirect.scatter.add.f32 [tilespmem:s22], [sflag:$0x5], $0x80, s6, s25, $0xb8;
	[tilespmem:$0x1F400] =	vst v63  }
0xca: {  	_ =	swait.ge [sflag:s20], $0x2000  }
0xcb: {  	[sflag:s20] =	ssyncset.done $0x0  }
0xcc: {  	[sflag:s20] =	ssyncadd.s32 $0xFFFFE000  }
0xcd: {  	[tilespmem:s1], [sflag:$0x4] =	stream.indirect.gather [hbm4b:s5+s25], $0x80, s4, s25, $0xb8;
	[tilespmem:$0x1F400] =	vst v63  }
0xce: {  	_ =	swait.ge [sflag:s7], $0x2000  }
0xcf: {  	[sflag:s7] =	ssyncset.done $0x0  }
0xd0: {  	[sflag:s7] =	ssyncadd.s32 $0xFFFFE000  }
0xd1: {  	[spmem:s3] =	stream.indirect.scatter.add.f32 [tilespmem:s28], [sflag:$0x6], $0x80, s2, s25, $0xb8;
	[tilespmem:$0x1F400] =	vst v63  }
0xd2: {  	_ =	swait.ge [sflag:s9], $0x2000  }
0xd3: {  	[sflag:s9] =	ssyncset.done $0x0  }
0xd4: {  	[sflag:s9] =	ssyncadd.s32 $0xFFFFE000  }
0xd5: {  	_ =	swait.ge [sflag:s11], $0x2000  }
0xd6: {  	[sflag:s11] =	ssyncset.done $0x0  }
0xd7: {  	[sflag:s11] =	ssyncadd.s32 $0xFFFFE000  }
0xd8: {  	[spmem:s3] =	stream.indirect.scatter.add.f32 [tilespmem:s30], [sflag:$0x7], $0x80, s26, s25, $0xb8;
	[tilespmem:$0x1F400] =	vst v63  }
0xd9: {  	_ =	swait.ge [sflag:s13], $0x2000  }
0xda: {  	[sflag:s13] =	ssyncset.done $0x0  }
0xdb: {  	[sflag:s13] =	ssyncadd.s32 $0xFFFFE000  }
0xdc: {  	_ =	swait.ge [sflag:s15], $0x2000  }
0xdd: {  	[sflag:s15] =	ssyncset.done $0x0  }
0xde: {  	s8 =	sadd.s32 $0x1, s8;
	[sflag:s15] =	ssyncadd.s32 $0xFFFFE000  }
0xdf: {  	[spmem:s3] =	stream.indirect.scatter.add.f32 [tilespmem:s1], [sflag:$0x8], $0x80, s29, s25, $0xb8;
	[tilespmem:$0x1F400] =	vst v63  }
0xe0: {  	p1 =	sne.s32 s8, $0x3;
	_ =	swait.ge [sflag:s19], $0x2000  }
.Ltmp2:
0xe1: {  	[sflag:s19] =	ssyncset.done $0x0;
	(pc) =	sbr.rel @p1 .LBB2_4-.Ltmp2, $4  }
0xe2: {  	[sflag:s19] =	ssyncadd.s32 $0xFFFFE000  }
0xe3: {  	_ =	swait.ge [sflag:s20], $0x2000  }
0xe4: {  	[sflag:s20] =	ssyncset.done $0x0  }
0xe5: {  	[sflag:s20] =	ssyncadd.s32 $0xFFFFE000  }
0xe6: {  	s0 =	simm.s32 @!p0 $0x0;
	s8 =	rddreg [dreg:$0xf]  }
0xe7: {  	[tilespmem:s0], [sflag:$0x9] =	stream.linear.gather @!p0 [hbm4b:s8+s0], $0x80, $0x38;
	[tilespmem:$0x1F400] =	vst v63  }
0xe8: {  	s8 =	simm.s32 @!p0 $0x9  }
0xe9: {  	_ =	swait.ge @!p0 [sflag:s8], $0x80  }
0xea: {  	[sflag:s8] =	ssyncset.done @!p0 $0x0  }
0xeb: {  	s10 =	simm.s32 @!p0 $0x1A00;
	s12 =	rddreg [dreg:$0x10];
	[sflag:s8] =	ssyncadd.s32 @!p0 $0xFFFFFF80  }
0xec: {  	[tilespmem:s10], [sflag:$0x9] =	stream.linear.gather @!p0 [hbm4b:s12+s0], $0x80, $0x38;
	[tilespmem:$0x1F400] =	vst v63  }
0xed: {  	_ =	swait.ge @!p0 [sflag:s8], $0x80  }
0xee: {  	[sflag:s8] =	ssyncset.done @!p0 $0x0  }
0xef: {  	s14 =	simm.s32 @!p0 $0x3400;
	s12 =	simm.s32 @!p0 $0x40;
	[sflag:s8] =	ssyncadd.s32 @!p0 $0xFFFFFF80  }
0xf0: {  	[tilespmem:s14], [sflag:$0x1] =	stream.indirect.gather @!p0 [hbm4b:s5+s12], $0x80, s0, s12, $0xb8;
	[tilespmem:$0x1F400] =	vst v63  }
0xf1: {  	s0 =	simm.s32 @!p0 $0x1  }
0xf2: {  	_ =	swait.ge @!p0 [sflag:s0], $0x2000  }
0xf3: {  	[sflag:s0] =	ssyncset.done @!p0 $0x0  }
0xf4: {  	[sflag:s0] =	ssyncadd.s32 @!p0 $0xFFFFE000  }
0xf5: {  	[spmem:s3] =	stream.indirect.scatter.add.f32 @!p0 [tilespmem:s14], [sflag:$0x9], $0x80, s10, s12, $0xb8;
	[tilespmem:$0x1F400] =	vst v63  }
0xf6: {  	_ =	swait.ge @!p0 [sflag:s8], $0x2000  }
0xf7: {  	[sflag:s8] =	ssyncset.done @!p0 $0x0  }
0xf8: {  	[sflag:s8] =	ssyncadd.s32 @!p0 $0xFFFFE000  }
0xf9: {  	s8 =	stileid.u32;
	[bflag:$0x0] =	sbarrier.arrive $0xFFFF  }
0xfa: {  	s0 =	sshll.u32 s8, $0x6;
	s12 =	rddreg [dreg:$0x5]  }
0xfb: {  	s0 =	sor.u32 $0x1C09, s0;
	s14 =	rddreg [dreg:$0x11];
	s10 =	sshrl.u32 s12, $0x3  }
0xfc: {  	[hbm:s14], [sflag:s0] =	dma.local [spmem:s10], $0x2800  }
0xfd: {  	_ =	swait.ge [sflag:s23], $0x2800  }
0xfe: {  	s8 =	rddreg [dreg:$0x4]  }
0xff: {  	s14 =	rddreg [dreg:$0x12];
	s10 =	sadd.s32 $0x1, s8  }
0x100: {  	p1 =	sne.s32 s10, s14  }
.Ltmp3:
0x101: {  	_ = 	snop;
	(pc) =	sbr.rel @p1 .LBB2_1-.Ltmp3, $3  }
0x102: {  	_ =	sdelay $0x1  }
0x103: {  	[sflag:s23] =	ssyncset.done $0x0  }
0x104: {  	[sflag:s23] =	ssyncadd.s32 $0xFFFFD800  }
0x105: {  	_ =	sfence.sel $0x180000  }
0x106: {  	[bflag:$0x0] =	sbarrier.arrive $0xFFFF  }
0x107: {  	_ =	strace $0x9000004A  }
0x108: {  	s0 =	stileid.u32;
	[bflag:$0x2] =	sbarrier.arrive $0xFFFF  }
0x109: {  	p0 =	sne.s32 s0, $0x0;
	s0 =	rddreg [dreg:$0x3]  }
0x10a: {  	s0 =	sadd.s32 @!p0 $0x100000, s0  }
0x10b: {  	[sflag:s0] =	ssyncadd.tile.s32 @!p0 $0x1;
	_ =	shalt  }
.Lfunc_end2:
_tile_overlayer_lowered:
.L_overlay_start_2:
0x10c: {  	(tag) =	ssettag $0x2  }
0x10d: {  	s0 =	rddreg [dreg:$0x0];
	s2 =	stileid.u32  }
0x10e: {  	s1 =	rddreg [dreg:$0x1];
	p0 =	sne.s32 s2, $0x0  }
0x10f: {  	s3 =	rddreg [dreg:$0x2];
	[bflag:$0x3] =	sbarrier.arrive $0xFFFF;
	s2 =	simm.s32 @!p0 $0x1C09  }
0x110: {  	[timem:s3], [sflag:s2] =	dma.local @!p0 [hbm:s0], s1  }
0x111: {  	s0 =	simm.s32 @!p0 $0x9  }
0x112: {  	_ =	swait.ge @!p0 [sflag:s0], s1  }
0x113: {  	s1 =	ssub.s32 @!p0 $0x0, s1;
	[sflag:s0] =	ssyncset.done @!p0 $0x0  }
0x114: {  	[sflag:s0] =	ssyncadd.s32 @!p0 s1  }
0x115: {  	[bflag:$0x3] =	sbarrier.arrive $0xFFFF  }
0x116: {  	_ =	shalt  }

</sc_bundles>
